<compile_context>
chip_gen: v7x
topology: tpu7x:2x2x1
jax: 0.10.2.dev20260603
libtpu: 0.0.44.dev20260713+nightly
codegen_flags: <defaults>
</compile_context>

<pallas_src>
import functools

import jax
import jax.numpy as jnp
from jax import lax
from jax.experimental import pallas as pl
from jax.experimental.pallas import tpu as pltpu
from jax.experimental.pallas import tpu_sc as plsc

_B = 16384
_D = 128
_V = 1000

_info = plsc.get_sparse_core_info()
_NC, _NS = _info.num_cores, _info.num_subcores
_NW = _NC * _NS
_BPW = _B // _NW
_NCHUNK = 8
_C = _BPW // _NCHUNK

_VPT = 64
_VREM = _V - _VPT * (_NS - 1)


@functools.partial(
    pl.kernel,
    mesh=plsc.VectorSubcoreMesh(core_axis_name="c", subcore_axis_name="s"),
    out_type=jax.ShapeDtypeStruct((_B, _D), jnp.float32),
    scratch_types=[
        pltpu.VMEM((_BPW,), jnp.int32),
        pltpu.VMEM((_NCHUNK, _C, _D), jnp.float32),
        pltpu.VMEM_SHARED((_V, _D), jnp.float32),
    ]
    + [pltpu.SemaphoreType.DMA] * _NCHUNK
    + [
        pltpu.SemaphoreType.DMA,
        pltpu.SemaphoreType.DMA,
    ],
)
def _sc_gather(idx_hbm, table_hbm, out_hbm, idx_v, rows_v, tbl_s, *sems):
    gsems = sems[:_NCHUNK]
    ssem, tsem = sems[_NCHUNK], sems[_NCHUNK + 1]
    cid = lax.axis_index("c")
    sid = lax.axis_index("s")
    wid = sid * _NC + cid
    base = wid * _BPW
    icopy = pltpu.async_copy(idx_hbm.at[pl.ds(base, _BPW)], idx_v, tsem)

    @pl.when(sid < _NS - 1)
    def _():
        pltpu.sync_copy(
            table_hbm.at[pl.ds(sid * _VPT, _VPT)],
            tbl_s.at[pl.ds(sid * _VPT, _VPT)],
        )

    @pl.when(sid == _NS - 1)
    def _():
        pltpu.sync_copy(
            table_hbm.at[pl.ds(_VPT * (_NS - 1), _VREM)],
            tbl_s.at[pl.ds(_VPT * (_NS - 1), _VREM)],
        )

    icopy.wait()
    plsc.subcore_barrier()
    gathers = []
    for k in range(_NCHUNK):
        gathers.append(
            pltpu.async_copy(
                tbl_s.at[idx_v.at[pl.ds(k * _C, _C)]], rows_v.at[k], gsems[k]
            )
        )
    stores = []
    for k in range(_NCHUNK):
        gathers[k].wait()
        stores.append(
            pltpu.async_copy(
                rows_v.at[k], out_hbm.at[pl.ds(base + k * _C, _C)], ssem
            )
        )
    for k in range(_NCHUNK):
        stores[k].wait()


@jax.jit
def kernel(t, W):
    return _sc_gather(t, W)

# --- scband reference (transcript-rebuilt; emitter-appended) ---
"""Pipeline reference for scband-step-embedding-154618822928 (READ-ONLY COPY).

The authoritative reference and input builder live on the scoring server;
editing this copy changes nothing except your own understanding.
"""

import jax, jax.numpy as jnp
import numpy as np


def create_sin_cos_encoding(embedding, steps):
    pos = np.arange(steps, dtype=np.float32)[:, None]
    i = np.arange(embedding)[None, :]
    div = np.power(10000.0, (2.0 * (i // 2)) / float(embedding))
    angles = pos / div
    pe = np.zeros((steps, embedding), dtype=np.float32)
    pe[:, 0::2] = np.sin(angles[:, 0::2])
    pe[:, 1::2] = np.cos(angles[:, 1::2])
    return jnp.asarray(pe)


def setup_inputs(seed: int = 0) -> dict:
    key = jax.random.key(seed)
    t = jax.random.randint(key, (16384,), 0, 1000, dtype=jnp.int32)
    W = create_sin_cos_encoding(128, 1000)
    return {"t": t, "W": W}


def reference(t, W):
    # nn.Embedding forward: row gather from the (sinusoidal-initialized) table
    step = jnp.take(W, t, axis=0)
    return step

if __name__ == "__main__":
    import jax
    _d = setup_inputs()
    print(jax.jit(kernel)(*tuple(_d.values())))

</pallas_src>

<mosaic_0001>
#map = affine_map<(d0, d1) -> (0)>
#map1 = affine_map<(d0, d1) -> (0, 0)>
module attributes {stable_mosaic.version = 14 : i64} {
  func.func @_sc_gather(%arg0: i32, %arg1: i32, %arg2: memref<16384xi32, #tpu.memory_space<hbm>>, %arg3: memref<1000x128xf32, #tpu.memory_space<hbm>>, %arg4: memref<16384x128xf32, #tpu.memory_space<hbm>>, %arg5: memref<512xi32, #tpu.memory_space<vmem>>, %arg6: memref<8x64x128xf32, #tpu.memory_space<vmem>>, %arg7: memref<1000x128xf32, #tpu.memory_space<vmem_shared>>, %arg8: memref<!tpu.dma_semaphore, #tpu.memory_space<semaphore_mem>>, %arg9: memref<!tpu.dma_semaphore, #tpu.memory_space<semaphore_mem>>, %arg10: memref<!tpu.dma_semaphore, #tpu.memory_space<semaphore_mem>>, %arg11: memref<!tpu.dma_semaphore, #tpu.memory_space<semaphore_mem>>, %arg12: memref<!tpu.dma_semaphore, #tpu.memory_space<semaphore_mem>>, %arg13: memref<!tpu.dma_semaphore, #tpu.memory_space<semaphore_mem>>, %arg14: memref<!tpu.dma_semaphore, #tpu.memory_space<semaphore_mem>>, %arg15: memref<!tpu.dma_semaphore, #tpu.memory_space<semaphore_mem>>, %arg16: memref<!tpu.dma_semaphore, #tpu.memory_space<semaphore_mem>>, %arg17: memref<!tpu.dma_semaphore, #tpu.memory_space<semaphore_mem>>) attributes {dimension_semantics = [#tpu.dimension_semantics<core_parallel>, #tpu.dimension_semantics<subcore_parallel>], iteration_bounds = array<i64: 2, 16>, scalar_prefetch = 0 : i64, scratch_operands = 13 : i64, tpu.core_type = #tpu.core_type<sc_vector_subcore>, window_params = [{transform_indices = #map}, {transform_indices = #map1}, {transform_indices = #map1}]} {
    %mul3A = arith.constant 2 : i32
    %mul3A_0 = arith.muli %arg1, %mul3A : i32
    %add3A = arith.addi %mul3A_0, %arg0 : i32
    %mul3A_1 = arith.constant 512 : i32
    %mul3A_2 = arith.muli %add3A, %mul3A_1 : i32
    %dma_start3A = tpu.memref_slice %arg2[%mul3A_2] : memref<16384xi32, #tpu.memory_space<hbm>> -> memref<512xi32, #tpu.memory_space<hbm>>
    %dma_start3A_3 = tpu.memref_slice %arg2[%mul3A_2] : memref<16384xi32, #tpu.memory_space<hbm>> -> memref<512xi32, #tpu.memory_space<hbm>>
    tpu.enqueue_dma source(%dma_start3A_3 : memref<512xi32, #tpu.memory_space<hbm>>) target(%arg5 : memref<512xi32, #tpu.memory_space<vmem>>) target_semaphore(%arg17 : memref<!tpu.dma_semaphore, #tpu.memory_space<semaphore_mem>>)
    %lt3A = arith.constant 15 : i32
    %lt3A_4 = arith.cmpi slt, %arg1, %lt3A : i32
    %convert_element_type3A = arith.extui %lt3A_4 : i1 to i32
    %cond3A = arith.constant 0 : i32
    %cond3A_5 = arith.cmpi ne, %convert_element_type3A, %cond3A : i32
    scf.if %cond3A_5 {
      %mul3A_395 = arith.constant 64 : i32
      %mul3A_396 = arith.muli %arg1, %mul3A_395 : i32
      %mul3A_397 = arith.constant 64 : i32
      %mul3A_398 = arith.muli %arg1, %mul3A_397 : i32
      "tpu.region"() ({
        %run_scoped3A = tpu.sem_alloc : memref<!tpu.dma_semaphore, #tpu.memory_space<semaphore_mem>>
        %dma_start3A_399 = arith.constant 0 : i32
        %dma_start3A_400 = tpu.memref_slice %arg7[%mul3A_398, %dma_start3A_399] : memref<1000x128xf32, #tpu.memory_space<vmem_shared>> -> memref<64x128xf32, #tpu.memory_space<vmem_shared>>
        %dma_start3A_401 = arith.constant 0 : i32
        %dma_start3A_402 = tpu.memref_slice %arg3[%mul3A_396, %dma_start3A_401] : memref<1000x128xf32, #tpu.memory_space<hbm>> -> memref<64x128xf32, #tpu.memory_space<hbm>>
        tpu.enqueue_dma source(%dma_start3A_402 : memref<64x128xf32, #tpu.memory_space<hbm>>) target(%dma_start3A_400 : memref<64x128xf32, #tpu.memory_space<vmem_shared>>) target_semaphore(%run_scoped3A : memref<!tpu.dma_semaphore, #tpu.memory_space<semaphore_mem>>)
        %dma_wait3A_403 = arith.constant 0 : i32
        %dma_wait3A_404 = tpu.memref_slice %arg7[%mul3A_398, %dma_wait3A_403] : memref<1000x128xf32, #tpu.memory_space<vmem_shared>> -> memref<64x128xf32, #tpu.memory_space<vmem_shared>>
        %dma_wait3A_405 = arith.constant 0 : i32
        %dma_wait3A_406 = tpu.memref_slice %arg3[%mul3A_396, %dma_wait3A_405] : memref<1000x128xf32, #tpu.memory_space<hbm>> -> memref<64x128xf32, #tpu.memory_space<hbm>>
        tpu.wait_dma2 semaphore(%run_scoped3A : memref<!tpu.dma_semaphore, #tpu.memory_space<semaphore_mem>>) src(%dma_wait3A_406 : memref<64x128xf32, #tpu.memory_space<hbm>>) dst(%dma_wait3A_404 : memref<64x128xf32, #tpu.memory_space<vmem_shared>>)
        tpu.yield
      }) : () -> ()
    } else {
    }
    %eq3A = arith.constant 15 : i32
    %eq3A_6 = arith.cmpi eq, %arg1, %eq3A : i32
    %convert_element_type3A_7 = arith.extui %eq3A_6 : i1 to i32
    %cond3A_8 = arith.constant 0 : i32
    %cond3A_9 = arith.cmpi ne, %convert_element_type3A_7, %cond3A_8 : i32
    scf.if %cond3A_9 {
      "tpu.region"() ({
        %run_scoped3A = tpu.sem_alloc : memref<!tpu.dma_semaphore, #tpu.memory_space<semaphore_mem>>
        %dma_start3A_395 = arith.constant 960 : i32
        %dma_start3A_396 = arith.constant 0 : i32
        %dma_start3A_397 = tpu.memref_slice %arg7[%dma_start3A_395, %dma_start3A_396] : memref<1000x128xf32, #tpu.memory_space<vmem_shared>> -> memref<40x128xf32, #tpu.memory_space<vmem_shared>>
        %dma_start3A_398 = arith.constant 960 : i32
        %dma_start3A_399 = arith.constant 0 : i32
        %dma_start3A_400 = tpu.memref_slice %arg3[%dma_start3A_398, %dma_start3A_399] : memref<1000x128xf32, #tpu.memory_space<hbm>> -> memref<40x128xf32, #tpu.memory_space<hbm>>
        tpu.enqueue_dma source(%dma_start3A_400 : memref<40x128xf32, #tpu.memory_space<hbm>>) target(%dma_start3A_397 : memref<40x128xf32, #tpu.memory_space<vmem_shared>>) target_semaphore(%run_scoped3A : memref<!tpu.dma_semaphore, #tpu.memory_space<semaphore_mem>>)
        %dma_wait3A_401 = arith.constant 960 : i32
        %dma_wait3A_402 = arith.constant 0 : i32
        %dma_wait3A_403 = tpu.memref_slice %arg7[%dma_wait3A_401, %dma_wait3A_402] : memref<1000x128xf32, #tpu.memory_space<vmem_shared>> -> memref<40x128xf32, #tpu.memory_space<vmem_shared>>
        %dma_wait3A_404 = arith.constant 960 : i32
        %dma_wait3A_405 = arith.constant 0 : i32
        %dma_wait3A_406 = tpu.memref_slice %arg3[%dma_wait3A_404, %dma_wait3A_405] : memref<1000x128xf32, #tpu.memory_space<hbm>> -> memref<40x128xf32, #tpu.memory_space<hbm>>
        tpu.wait_dma2 semaphore(%run_scoped3A : memref<!tpu.dma_semaphore, #tpu.memory_space<semaphore_mem>>) src(%dma_wait3A_406 : memref<40x128xf32, #tpu.memory_space<hbm>>) dst(%dma_wait3A_403 : memref<40x128xf32, #tpu.memory_space<vmem_shared>>)
        tpu.yield
      }) : () -> ()
    } else {
    }
    %dma_wait3A = tpu.memref_slice %arg2[%mul3A_2] : memref<16384xi32, #tpu.memory_space<hbm>> -> memref<512xi32, #tpu.memory_space<hbm>>
    %dma_wait3A_10 = tpu.memref_slice %arg2[%mul3A_2] : memref<16384xi32, #tpu.memory_space<hbm>> -> memref<512xi32, #tpu.memory_space<hbm>>
    tpu.wait_dma2 semaphore(%arg17 : memref<!tpu.dma_semaphore, #tpu.memory_space<semaphore_mem>>) src(%dma_wait3A_10 : memref<512xi32, #tpu.memory_space<hbm>>) dst(%arg5 : memref<512xi32, #tpu.memory_space<vmem>>)
    %barrier3A = arith.constant 0 : index
    tpu.barrier barrier_id(%barrier3A)
    %dma_start3A_11 = arith.constant 0 : i32
    %dma_start3A_12 = arith.constant 0 : i32
    %dma_start3A_13 = arith.constant 0 : i32
    %dma_start3A_14 = tpu.memref_slice %arg6[%dma_start3A_11, %dma_start3A_12, %dma_start3A_13] : memref<8x64x128xf32, #tpu.memory_space<vmem>> -> memref<1x64x128xf32, #tpu.memory_space<vmem>>
    %dma_start3A_15 = tpu.memref_squeeze %dma_start3A_14 : memref<1x64x128xf32, #tpu.memory_space<vmem>> -> memref<64x128xf32, #tpu.memory_space<vmem>>
    %dma_start3A_16 = arith.constant 0 : i32
    %dma_start3A_17 = tpu.memref_slice %arg5[%dma_start3A_16] : memref<512xi32, #tpu.memory_space<vmem>> -> memref<64xi32, #tpu.memory_space<vmem>>
    %dma_start3A_18 = arith.constant 0 : i32
    %dma_start3A_19 = arith.constant 0 : i32
    %dma_start3A_20 = tpu.memref_slice %arg7[%dma_start3A_18, %dma_start3A_19] : memref<1000x128xf32, #tpu.memory_space<vmem_shared>> -> memref<1000x128xf32, #tpu.memory_space<vmem_shared>>
    tpu.enqueue_indirect_dma source(%dma_start3A_20 : memref<1000x128xf32, #tpu.memory_space<vmem_shared>>) target(%dma_start3A_15 : memref<64x128xf32, #tpu.memory_space<vmem>>) offsets(%dma_start3A_17 : memref<64xi32, #tpu.memory_space<vmem>>) semaphore(%arg8 : memref<!tpu.dma_semaphore, #tpu.memory_space<semaphore_mem>>)
    %dma_start3A_21 = arith.constant 1 : i32
    %dma_start3A_22 = arith.constant 0 : i32
    %dma_start3A_23 = arith.constant 0 : i32
    %dma_start3A_24 = tpu.memref_slice %arg6[%dma_start3A_21, %dma_start3A_22, %dma_start3A_23] : memref<8x64x128xf32, #tpu.memory_space<vmem>> -> memref<1x64x128xf32, #tpu.memory_space<vmem>>
    %dma_start3A_25 = tpu.memref_squeeze %dma_start3A_24 : memref<1x64x128xf32, #tpu.memory_space<vmem>> -> memref<64x128xf32, #tpu.memory_space<vmem>>
    %dma_start3A_26 = arith.constant 64 : i32
    %dma_start3A_27 = tpu.memref_slice %arg5[%dma_start3A_26] : memref<512xi32, #tpu.memory_space<vmem>> -> memref<64xi32, #tpu.memory_space<vmem>>
    %dma_start3A_28 = arith.constant 0 : i32
    %dma_start3A_29 = arith.constant 0 : i32
    %dma_start3A_30 = tpu.memref_slice %arg7[%dma_start3A_28, %dma_start3A_29] : memref<1000x128xf32, #tpu.memory_space<vmem_shared>> -> memref<1000x128xf32, #tpu.memory_space<vmem_shared>>
    tpu.enqueue_indirect_dma source(%dma_start3A_30 : memref<1000x128xf32, #tpu.memory_space<vmem_shared>>) target(%dma_start3A_25 : memref<64x128xf32, #tpu.memory_space<vmem>>) offsets(%dma_start3A_27 : memref<64xi32, #tpu.memory_space<vmem>>) semaphore(%arg9 : memref<!tpu.dma_semaphore, #tpu.memory_space<semaphore_mem>>)
    %dma_start3A_31 = arith.constant 2 : i32
    %dma_start3A_32 = arith.constant 0 : i32
    %dma_start3A_33 = arith.constant 0 : i32
    %dma_start3A_34 = tpu.memref_slice %arg6[%dma_start3A_31, %dma_start3A_32, %dma_start3A_33] : memref<8x64x128xf32, #tpu.memory_space<vmem>> -> memref<1x64x128xf32, #tpu.memory_space<vmem>>
    %dma_start3A_35 = tpu.memref_squeeze %dma_start3A_34 : memref<1x64x128xf32, #tpu.memory_space<vmem>> -> memref<64x128xf32, #tpu.memory_space<vmem>>
    %dma_start3A_36 = arith.constant 128 : i32
    %dma_start3A_37 = tpu.memref_slice %arg5[%dma_start3A_36] : memref<512xi32, #tpu.memory_space<vmem>> -> memref<64xi32, #tpu.memory_space<vmem>>
    %dma_start3A_38 = arith.constant 0 : i32
    %dma_start3A_39 = arith.constant 0 : i32
    %dma_start3A_40 = tpu.memref_slice %arg7[%dma_start3A_38, %dma_start3A_39] : memref<1000x128xf32, #tpu.memory_space<vmem_shared>> -> memref<1000x128xf32, #tpu.memory_space<vmem_shared>>
    tpu.enqueue_indirect_dma source(%dma_start3A_40 : memref<1000x128xf32, #tpu.memory_space<vmem_shared>>) target(%dma_start3A_35 : memref<64x128xf32, #tpu.memory_space<vmem>>) offsets(%dma_start3A_37 : memref<64xi32, #tpu.memory_space<vmem>>) semaphore(%arg10 : memref<!tpu.dma_semaphore, #tpu.memory_space<semaphore_mem>>)
    %dma_start3A_41 = arith.constant 3 : i32
    %dma_start3A_42 = arith.constant 0 : i32
    %dma_start3A_43 = arith.constant 0 : i32
    %dma_start3A_44 = tpu.memref_slice %arg6[%dma_start3A_41, %dma_start3A_42, %dma_start3A_43] : memref<8x64x128xf32, #tpu.memory_space<vmem>> -> memref<1x64x128xf32, #tpu.memory_space<vmem>>
    %dma_start3A_45 = tpu.memref_squeeze %dma_start3A_44 : memref<1x64x128xf32, #tpu.memory_space<vmem>> -> memref<64x128xf32, #tpu.memory_space<vmem>>
    %dma_start3A_46 = arith.constant 192 : i32
    %dma_start3A_47 = tpu.memref_slice %arg5[%dma_start3A_46] : memref<512xi32, #tpu.memory_space<vmem>> -> memref<64xi32, #tpu.memory_space<vmem>>
    %dma_start3A_48 = arith.constant 0 : i32
    %dma_start3A_49 = arith.constant 0 : i32
    %dma_start3A_50 = tpu.memref_slice %arg7[%dma_start3A_48, %dma_start3A_49] : memref<1000x128xf32, #tpu.memory_space<vmem_shared>> -> memref<1000x128xf32, #tpu.memory_space<vmem_shared>>
    tpu.enqueue_indirect_dma source(%dma_start3A_50 : memref<1000x128xf32, #tpu.memory_space<vmem_shared>>) target(%dma_start3A_45 : memref<64x128xf32, #tpu.memory_space<vmem>>) offsets(%dma_start3A_47 : memref<64xi32, #tpu.memory_space<vmem>>) semaphore(%arg11 : memref<!tpu.dma_semaphore, #tpu.memory_space<semaphore_mem>>)
    %dma_start3A_51 = arith.constant 4 : i32
    %dma_start3A_52 = arith.constant 0 : i32
    %dma_start3A_53 = arith.constant 0 : i32
    %dma_start3A_54 = tpu.memref_slice %arg6[%dma_start3A_51, %dma_start3A_52, %dma_start3A_53] : memref<8x64x128xf32, #tpu.memory_space<vmem>> -> memref<1x64x128xf32, #tpu.memory_space<vmem>>
    %dma_start3A_55 = tpu.memref_squeeze %dma_start3A_54 : memref<1x64x128xf32, #tpu.memory_space<vmem>> -> memref<64x128xf32, #tpu.memory_space<vmem>>
    %dma_start3A_56 = arith.constant 256 : i32
    %dma_start3A_57 = tpu.memref_slice %arg5[%dma_start3A_56] : memref<512xi32, #tpu.memory_space<vmem>> -> memref<64xi32, #tpu.memory_space<vmem>>
    %dma_start3A_58 = arith.constant 0 : i32
    %dma_start3A_59 = arith.constant 0 : i32
    %dma_start3A_60 = tpu.memref_slice %arg7[%dma_start3A_58, %dma_start3A_59] : memref<1000x128xf32, #tpu.memory_space<vmem_shared>> -> memref<1000x128xf32, #tpu.memory_space<vmem_shared>>
    tpu.enqueue_indirect_dma source(%dma_start3A_60 : memref<1000x128xf32, #tpu.memory_space<vmem_shared>>) target(%dma_start3A_55 : memref<64x128xf32, #tpu.memory_space<vmem>>) offsets(%dma_start3A_57 : memref<64xi32, #tpu.memory_space<vmem>>) semaphore(%arg12 : memref<!tpu.dma_semaphore, #tpu.memory_space<semaphore_mem>>)
    %dma_start3A_61 = arith.constant 5 : i32
    %dma_start3A_62 = arith.constant 0 : i32
    %dma_start3A_63 = arith.constant 0 : i32
    %dma_start3A_64 = tpu.memref_slice %arg6[%dma_start3A_61, %dma_start3A_62, %dma_start3A_63] : memref<8x64x128xf32, #tpu.memory_space<vmem>> -> memref<1x64x128xf32, #tpu.memory_space<vmem>>
    %dma_start3A_65 = tpu.memref_squeeze %dma_start3A_64 : memref<1x64x128xf32, #tpu.memory_space<vmem>> -> memref<64x128xf32, #tpu.memory_space<vmem>>
    %dma_start3A_66 = arith.constant 320 : i32
    %dma_start3A_67 = tpu.memref_slice %arg5[%dma_start3A_66] : memref<512xi32, #tpu.memory_space<vmem>> -> memref<64xi32, #tpu.memory_space<vmem>>
    %dma_start3A_68 = arith.constant 0 : i32
    %dma_start3A_69 = arith.constant 0 : i32
    %dma_start3A_70 = tpu.memref_slice %arg7[%dma_start3A_68, %dma_start3A_69] : memref<1000x128xf32, #tpu.memory_space<vmem_shared>> -> memref<1000x128xf32, #tpu.memory_space<vmem_shared>>
    tpu.enqueue_indirect_dma source(%dma_start3A_70 : memref<1000x128xf32, #tpu.memory_space<vmem_shared>>) target(%dma_start3A_65 : memref<64x128xf32, #tpu.memory_space<vmem>>) offsets(%dma_start3A_67 : memref<64xi32, #tpu.memory_space<vmem>>) semaphore(%arg13 : memref<!tpu.dma_semaphore, #tpu.memory_space<semaphore_mem>>)
    %dma_start3A_71 = arith.constant 6 : i32
    %dma_start3A_72 = arith.constant 0 : i32
    %dma_start3A_73 = arith.constant 0 : i32
    %dma_start3A_74 = tpu.memref_slice %arg6[%dma_start3A_71, %dma_start3A_72, %dma_start3A_73] : memref<8x64x128xf32, #tpu.memory_space<vmem>> -> memref<1x64x128xf32, #tpu.memory_space<vmem>>
    %dma_start3A_75 = tpu.memref_squeeze %dma_start3A_74 : memref<1x64x128xf32, #tpu.memory_space<vmem>> -> memref<64x128xf32, #tpu.memory_space<vmem>>
    %dma_start3A_76 = arith.constant 384 : i32
    %dma_start3A_77 = tpu.memref_slice %arg5[%dma_start3A_76] : memref<512xi32, #tpu.memory_space<vmem>> -> memref<64xi32, #tpu.memory_space<vmem>>
    %dma_start3A_78 = arith.constant 0 : i32
    %dma_start3A_79 = arith.constant 0 : i32
    %dma_start3A_80 = tpu.memref_slice %arg7[%dma_start3A_78, %dma_start3A_79] : memref<1000x128xf32, #tpu.memory_space<vmem_shared>> -> memref<1000x128xf32, #tpu.memory_space<vmem_shared>>
    tpu.enqueue_indirect_dma source(%dma_start3A_80 : memref<1000x128xf32, #tpu.memory_space<vmem_shared>>) target(%dma_start3A_75 : memref<64x128xf32, #tpu.memory_space<vmem>>) offsets(%dma_start3A_77 : memref<64xi32, #tpu.memory_space<vmem>>) semaphore(%arg14 : memref<!tpu.dma_semaphore, #tpu.memory_space<semaphore_mem>>)
    %dma_start3A_81 = arith.constant 7 : i32
    %dma_start3A_82 = arith.constant 0 : i32
    %dma_start3A_83 = arith.constant 0 : i32
    %dma_start3A_84 = tpu.memref_slice %arg6[%dma_start3A_81, %dma_start3A_82, %dma_start3A_83] : memref<8x64x128xf32, #tpu.memory_space<vmem>> -> memref<1x64x128xf32, #tpu.memory_space<vmem>>
    %dma_start3A_85 = tpu.memref_squeeze %dma_start3A_84 : memref<1x64x128xf32, #tpu.memory_space<vmem>> -> memref<64x128xf32, #tpu.memory_space<vmem>>
    %dma_start3A_86 = arith.constant 448 : i32
    %dma_start3A_87 = tpu.memref_slice %arg5[%dma_start3A_86] : memref<512xi32, #tpu.memory_space<vmem>> -> memref<64xi32, #tpu.memory_space<vmem>>
    %dma_start3A_88 = arith.constant 0 : i32
    %dma_start3A_89 = arith.constant 0 : i32
    %dma_start3A_90 = tpu.memref_slice %arg7[%dma_start3A_88, %dma_start3A_89] : memref<1000x128xf32, #tpu.memory_space<vmem_shared>> -> memref<1000x128xf32, #tpu.memory_space<vmem_shared>>
    tpu.enqueue_indirect_dma source(%dma_start3A_90 : memref<1000x128xf32, #tpu.memory_space<vmem_shared>>) target(%dma_start3A_85 : memref<64x128xf32, #tpu.memory_space<vmem>>) offsets(%dma_start3A_87 : memref<64xi32, #tpu.memory_space<vmem>>) semaphore(%arg15 : memref<!tpu.dma_semaphore, #tpu.memory_space<semaphore_mem>>)
    %dma_wait3A_91 = arith.constant 0 : i32
    %dma_wait3A_92 = arith.constant 0 : i32
    %dma_wait3A_93 = arith.constant 0 : i32
    %dma_wait3A_94 = tpu.memref_slice %arg6[%dma_wait3A_91, %dma_wait3A_92, %dma_wait3A_93] : memref<8x64x128xf32, #tpu.memory_space<vmem>> -> memref<1x64x128xf32, #tpu.memory_space<vmem>>
    %dma_wait3A_95 = tpu.memref_squeeze %dma_wait3A_94 : memref<1x64x128xf32, #tpu.memory_space<vmem>> -> memref<64x128xf32, #tpu.memory_space<vmem>>
    %dma_wait3A_96 = arith.constant 0 : i32
    %dma_wait3A_97 = tpu.memref_slice %arg5[%dma_wait3A_96] : memref<512xi32, #tpu.memory_space<vmem>> -> memref<64xi32, #tpu.memory_space<vmem>>
    %dma_wait3A_98 = arith.constant 0 : i32
    %dma_wait3A_99 = arith.constant 0 : i32
    %dma_wait3A_100 = tpu.memref_slice %arg7[%dma_wait3A_98, %dma_wait3A_99] : memref<1000x128xf32, #tpu.memory_space<vmem_shared>> -> memref<1000x128xf32, #tpu.memory_space<vmem_shared>>
    tpu.wait_indirect_dma semaphore(%arg8 : memref<!tpu.dma_semaphore, #tpu.memory_space<semaphore_mem>>) src(%dma_wait3A_100 : memref<1000x128xf32, #tpu.memory_space<vmem_shared>>) dst(%dma_wait3A_95 : memref<64x128xf32, #tpu.memory_space<vmem>>)
    %add3A_101 = arith.constant 0 : i32
    %add3A_102 = arith.addi %mul3A_2, %add3A_101 : i32
    %dma_start3A_103 = arith.constant 0 : i32
    %dma_start3A_104 = arith.constant 0 : i32
    %dma_start3A_105 = arith.constant 0 : i32
    %dma_start3A_106 = tpu.memref_slice %arg6[%dma_start3A_103, %dma_start3A_104, %dma_start3A_105] : memref<8x64x128xf32, #tpu.memory_space<vmem>> -> memref<1x64x128xf32, #tpu.memory_space<vmem>>
    %dma_start3A_107 = tpu.memref_squeeze %dma_start3A_106 : memref<1x64x128xf32, #tpu.memory_space<vmem>> -> memref<64x128xf32, #tpu.memory_space<vmem>>
    %dma_start3A_108 = arith.constant 0 : i32
    %dma_start3A_109 = tpu.memref_slice %arg4[%add3A_102, %dma_start3A_108] : memref<16384x128xf32, #tpu.memory_space<hbm>> -> memref<64x128xf32, #tpu.memory_space<hbm>>
    %dma_start3A_110 = arith.constant 0 : i32
    %dma_start3A_111 = tpu.memref_slice %arg4[%add3A_102, %dma_start3A_110] : memref<16384x128xf32, #tpu.memory_space<hbm>> -> memref<64x128xf32, #tpu.memory_space<hbm>>
    %dma_start3A_112 = arith.constant 0 : i32
    %dma_start3A_113 = arith.constant 0 : i32
    %dma_start3A_114 = tpu.memref_slice %arg6[%dma_start3A_103, %dma_start3A_112, %dma_start3A_113] : memref<8x64x128xf32, #tpu.memory_space<vmem>> -> memref<1x64x128xf32, #tpu.memory_space<vmem>>
    %dma_start3A_115 = tpu.memref_squeeze %dma_start3A_114 : memref<1x64x128xf32, #tpu.memory_space<vmem>> -> memref<64x128xf32, #tpu.memory_space<vmem>>
    tpu.enqueue_dma source(%dma_start3A_115 : memref<64x128xf32, #tpu.memory_space<vmem>>) target(%dma_start3A_111 : memref<64x128xf32, #tpu.memory_space<hbm>>) target_semaphore(%arg16 : memref<!tpu.dma_semaphore, #tpu.memory_space<semaphore_mem>>)
    %dma_wait3A_116 = arith.constant 1 : i32
    %dma_wait3A_117 = arith.constant 0 : i32
    %dma_wait3A_118 = arith.constant 0 : i32
    %dma_wait3A_119 = tpu.memref_slice %arg6[%dma_wait3A_116, %dma_wait3A_117, %dma_wait3A_118] : memref<8x64x128xf32, #tpu.memory_space<vmem>> -> memref<1x64x128xf32, #tpu.memory_space<vmem>>
    %dma_wait3A_120 = tpu.memref_squeeze %dma_wait3A_119 : memref<1x64x128xf32, #tpu.memory_space<vmem>> -> memref<64x128xf32, #tpu.memory_space<vmem>>
    %dma_wait3A_121 = arith.constant 64 : i32
    %dma_wait3A_122 = tpu.memref_slice %arg5[%dma_wait3A_121] : memref<512xi32, #tpu.memory_space<vmem>> -> memref<64xi32, #tpu.memory_space<vmem>>
    %dma_wait3A_123 = arith.constant 0 : i32
    %dma_wait3A_124 = arith.constant 0 : i32
    %dma_wait3A_125 = tpu.memref_slice %arg7[%dma_wait3A_123, %dma_wait3A_124] : memref<1000x128xf32, #tpu.memory_space<vmem_shared>> -> memref<1000x128xf32, #tpu.memory_space<vmem_shared>>
    tpu.wait_indirect_dma semaphore(%arg9 : memref<!tpu.dma_semaphore, #tpu.memory_space<semaphore_mem>>) src(%dma_wait3A_125 : memref<1000x128xf32, #tpu.memory_space<vmem_shared>>) dst(%dma_wait3A_120 : memref<64x128xf32, #tpu.memory_space<vmem>>)
    %add3A_126 = arith.constant 64 : i32
    %add3A_127 = arith.addi %mul3A_2, %add3A_126 : i32
    %dma_start3A_128 = arith.constant 1 : i32
    %dma_start3A_129 = arith.constant 0 : i32
    %dma_start3A_130 = arith.constant 0 : i32
    %dma_start3A_131 = tpu.memref_slice %arg6[%dma_start3A_128, %dma_start3A_129, %dma_start3A_130] : memref<8x64x128xf32, #tpu.memory_space<vmem>> -> memref<1x64x128xf32, #tpu.memory_space<vmem>>
    %dma_start3A_132 = tpu.memref_squeeze %dma_start3A_131 : memref<1x64x128xf32, #tpu.memory_space<vmem>> -> memref<64x128xf32, #tpu.memory_space<vmem>>
    %dma_start3A_133 = arith.constant 0 : i32
    %dma_start3A_134 = tpu.memref_slice %arg4[%add3A_127, %dma_start3A_133] : memref<16384x128xf32, #tpu.memory_space<hbm>> -> memref<64x128xf32, #tpu.memory_space<hbm>>
    %dma_start3A_135 = arith.constant 0 : i32
    %dma_start3A_136 = tpu.memref_slice %arg4[%add3A_127, %dma_start3A_135] : memref<16384x128xf32, #tpu.memory_space<hbm>> -> memref<64x128xf32, #tpu.memory_space<hbm>>
    %dma_start3A_137 = arith.constant 0 : i32
    %dma_start3A_138 = arith.constant 0 : i32
    %dma_start3A_139 = tpu.memref_slice %arg6[%dma_start3A_128, %dma_start3A_137, %dma_start3A_138] : memref<8x64x128xf32, #tpu.memory_space<vmem>> -> memref<1x64x128xf32, #tpu.memory_space<vmem>>
    %dma_start3A_140 = tpu.memref_squeeze %dma_start3A_139 : memref<1x64x128xf32, #tpu.memory_space<vmem>> -> memref<64x128xf32, #tpu.memory_space<vmem>>
    tpu.enqueue_dma source(%dma_start3A_140 : memref<64x128xf32, #tpu.memory_space<vmem>>) target(%dma_start3A_136 : memref<64x128xf32, #tpu.memory_space<hbm>>) target_semaphore(%arg16 : memref<!tpu.dma_semaphore, #tpu.memory_space<semaphore_mem>>)
    %dma_wait3A_141 = arith.constant 2 : i32
    %dma_wait3A_142 = arith.constant 0 : i32
    %dma_wait3A_143 = arith.constant 0 : i32
    %dma_wait3A_144 = tpu.memref_slice %arg6[%dma_wait3A_141, %dma_wait3A_142, %dma_wait3A_143] : memref<8x64x128xf32, #tpu.memory_space<vmem>> -> memref<1x64x128xf32, #tpu.memory_space<vmem>>
    %dma_wait3A_145 = tpu.memref_squeeze %dma_wait3A_144 : memref<1x64x128xf32, #tpu.memory_space<vmem>> -> memref<64x128xf32, #tpu.memory_space<vmem>>
    %dma_wait3A_146 = arith.constant 128 : i32
    %dma_wait3A_147 = tpu.memref_slice %arg5[%dma_wait3A_146] : memref<512xi32, #tpu.memory_space<vmem>> -> memref<64xi32, #tpu.memory_space<vmem>>
    %dma_wait3A_148 = arith.constant 0 : i32
    %dma_wait3A_149 = arith.constant 0 : i32
    %dma_wait3A_150 = tpu.memref_slice %arg7[%dma_wait3A_148, %dma_wait3A_149] : memref<1000x128xf32, #tpu.memory_space<vmem_shared>> -> memref<1000x128xf32, #tpu.memory_space<vmem_shared>>
    tpu.wait_indirect_dma semaphore(%arg10 : memref<!tpu.dma_semaphore, #tpu.memory_space<semaphore_mem>>) src(%dma_wait3A_150 : memref<1000x128xf32, #tpu.memory_space<vmem_shared>>) dst(%dma_wait3A_145 : memref<64x128xf32, #tpu.memory_space<vmem>>)
    %add3A_151 = arith.constant 128 : i32
    %add3A_152 = arith.addi %mul3A_2, %add3A_151 : i32
    %dma_start3A_153 = arith.constant 2 : i32
    %dma_start3A_154 = arith.constant 0 : i32
    %dma_start3A_155 = arith.constant 0 : i32
    %dma_start3A_156 = tpu.memref_slice %arg6[%dma_start3A_153, %dma_start3A_154, %dma_start3A_155] : memref<8x64x128xf32, #tpu.memory_space<vmem>> -> memref<1x64x128xf32, #tpu.memory_space<vmem>>
    %dma_start3A_157 = tpu.memref_squeeze %dma_start3A_156 : memref<1x64x128xf32, #tpu.memory_space<vmem>> -> memref<64x128xf32, #tpu.memory_space<vmem>>
    %dma_start3A_158 = arith.constant 0 : i32
    %dma_start3A_159 = tpu.memref_slice %arg4[%add3A_152, %dma_start3A_158] : memref<16384x128xf32, #tpu.memory_space<hbm>> -> memref<64x128xf32, #tpu.memory_space<hbm>>
    %dma_start3A_160 = arith.constant 0 : i32
    %dma_start3A_161 = tpu.memref_slice %arg4[%add3A_152, %dma_start3A_160] : memref<16384x128xf32, #tpu.memory_space<hbm>> -> memref<64x128xf32, #tpu.memory_space<hbm>>
    %dma_start3A_162 = arith.constant 0 : i32
    %dma_start3A_163 = arith.constant 0 : i32
    %dma_start3A_164 = tpu.memref_slice %arg6[%dma_start3A_153, %dma_start3A_162, %dma_start3A_163] : memref<8x64x128xf32, #tpu.memory_space<vmem>> -> memref<1x64x128xf32, #tpu.memory_space<vmem>>
    %dma_start3A_165 = tpu.memref_squeeze %dma_start3A_164 : memref<1x64x128xf32, #tpu.memory_space<vmem>> -> memref<64x128xf32, #tpu.memory_space<vmem>>
    tpu.enqueue_dma source(%dma_start3A_165 : memref<64x128xf32, #tpu.memory_space<vmem>>) target(%dma_start3A_161 : memref<64x128xf32, #tpu.memory_space<hbm>>) target_semaphore(%arg16 : memref<!tpu.dma_semaphore, #tpu.memory_space<semaphore_mem>>)
    %dma_wait3A_166 = arith.constant 3 : i32
    %dma_wait3A_167 = arith.constant 0 : i32
    %dma_wait3A_168 = arith.constant 0 : i32
    %dma_wait3A_169 = tpu.memref_slice %arg6[%dma_wait3A_166, %dma_wait3A_167, %dma_wait3A_168] : memref<8x64x128xf32, #tpu.memory_space<vmem>> -> memref<1x64x128xf32, #tpu.memory_space<vmem>>
    %dma_wait3A_170 = tpu.memref_squeeze %dma_wait3A_169 : memref<1x64x128xf32, #tpu.memory_space<vmem>> -> memref<64x128xf32, #tpu.memory_space<vmem>>
    %dma_wait3A_171 = arith.constant 192 : i32
    %dma_wait3A_172 = tpu.memref_slice %arg5[%dma_wait3A_171] : memref<512xi32, #tpu.memory_space<vmem>> -> memref<64xi32, #tpu.memory_space<vmem>>
    %dma_wait3A_173 = arith.constant 0 : i32
    %dma_wait3A_174 = arith.constant 0 : i32
    %dma_wait3A_175 = tpu.memref_slice %arg7[%dma_wait3A_173, %dma_wait3A_174] : memref<1000x128xf32, #tpu.memory_space<vmem_shared>> -> memref<1000x128xf32, #tpu.memory_space<vmem_shared>>
    tpu.wait_indirect_dma semaphore(%arg11 : memref<!tpu.dma_semaphore, #tpu.memory_space<semaphore_mem>>) src(%dma_wait3A_175 : memref<1000x128xf32, #tpu.memory_space<vmem_shared>>) dst(%dma_wait3A_170 : memref<64x128xf32, #tpu.memory_space<vmem>>)
    %add3A_176 = arith.constant 192 : i32
    %add3A_177 = arith.addi %mul3A_2, %add3A_176 : i32
    %dma_start3A_178 = arith.constant 3 : i32
    %dma_start3A_179 = arith.constant 0 : i32
    %dma_start3A_180 = arith.constant 0 : i32
    %dma_start3A_181 = tpu.memref_slice %arg6[%dma_start3A_178, %dma_start3A_179, %dma_start3A_180] : memref<8x64x128xf32, #tpu.memory_space<vmem>> -> memref<1x64x128xf32, #tpu.memory_space<vmem>>
    %dma_start3A_182 = tpu.memref_squeeze %dma_start3A_181 : memref<1x64x128xf32, #tpu.memory_space<vmem>> -> memref<64x128xf32, #tpu.memory_space<vmem>>
    %dma_start3A_183 = arith.constant 0 : i32
    %dma_start3A_184 = tpu.memref_slice %arg4[%add3A_177, %dma_start3A_183] : memref<16384x128xf32, #tpu.memory_space<hbm>> -> memref<64x128xf32, #tpu.memory_space<hbm>>
    %dma_start3A_185 = arith.constant 0 : i32
    %dma_start3A_186 = tpu.memref_slice %arg4[%add3A_177, %dma_start3A_185] : memref<16384x128xf32, #tpu.memory_space<hbm>> -> memref<64x128xf32, #tpu.memory_space<hbm>>
    %dma_start3A_187 = arith.constant 0 : i32
    %dma_start3A_188 = arith.constant 0 : i32
    %dma_start3A_189 = tpu.memref_slice %arg6[%dma_start3A_178, %dma_start3A_187, %dma_start3A_188] : memref<8x64x128xf32, #tpu.memory_space<vmem>> -> memref<1x64x128xf32, #tpu.memory_space<vmem>>
    %dma_start3A_190 = tpu.memref_squeeze %dma_start3A_189 : memref<1x64x128xf32, #tpu.memory_space<vmem>> -> memref<64x128xf32, #tpu.memory_space<vmem>>
    tpu.enqueue_dma source(%dma_start3A_190 : memref<64x128xf32, #tpu.memory_space<vmem>>) target(%dma_start3A_186 : memref<64x128xf32, #tpu.memory_space<hbm>>) target_semaphore(%arg16 : memref<!tpu.dma_semaphore, #tpu.memory_space<semaphore_mem>>)
    %dma_wait3A_191 = arith.constant 4 : i32
    %dma_wait3A_192 = arith.constant 0 : i32
    %dma_wait3A_193 = arith.constant 0 : i32
    %dma_wait3A_194 = tpu.memref_slice %arg6[%dma_wait3A_191, %dma_wait3A_192, %dma_wait3A_193] : memref<8x64x128xf32, #tpu.memory_space<vmem>> -> memref<1x64x128xf32, #tpu.memory_space<vmem>>
    %dma_wait3A_195 = tpu.memref_squeeze %dma_wait3A_194 : memref<1x64x128xf32, #tpu.memory_space<vmem>> -> memref<64x128xf32, #tpu.memory_space<vmem>>
    %dma_wait3A_196 = arith.constant 256 : i32
    %dma_wait3A_197 = tpu.memref_slice %arg5[%dma_wait3A_196] : memref<512xi32, #tpu.memory_space<vmem>> -> memref<64xi32, #tpu.memory_space<vmem>>
    %dma_wait3A_198 = arith.constant 0 : i32
    %dma_wait3A_199 = arith.constant 0 : i32
    %dma_wait3A_200 = tpu.memref_slice %arg7[%dma_wait3A_198, %dma_wait3A_199] : memref<1000x128xf32, #tpu.memory_space<vmem_shared>> -> memref<1000x128xf32, #tpu.memory_space<vmem_shared>>
    tpu.wait_indirect_dma semaphore(%arg12 : memref<!tpu.dma_semaphore, #tpu.memory_space<semaphore_mem>>) src(%dma_wait3A_200 : memref<1000x128xf32, #tpu.memory_space<vmem_shared>>) dst(%dma_wait3A_195 : memref<64x128xf32, #tpu.memory_space<vmem>>)
    %add3A_201 = arith.constant 256 : i32
    %add3A_202 = arith.addi %mul3A_2, %add3A_201 : i32
    %dma_start3A_203 = arith.constant 4 : i32
    %dma_start3A_204 = arith.constant 0 : i32
    %dma_start3A_205 = arith.constant 0 : i32
    %dma_start3A_206 = tpu.memref_slice %arg6[%dma_start3A_203, %dma_start3A_204, %dma_start3A_205] : memref<8x64x128xf32, #tpu.memory_space<vmem>> -> memref<1x64x128xf32, #tpu.memory_space<vmem>>
    %dma_start3A_207 = tpu.memref_squeeze %dma_start3A_206 : memref<1x64x128xf32, #tpu.memory_space<vmem>> -> memref<64x128xf32, #tpu.memory_space<vmem>>
    %dma_start3A_208 = arith.constant 0 : i32
    %dma_start3A_209 = tpu.memref_slice %arg4[%add3A_202, %dma_start3A_208] : memref<16384x128xf32, #tpu.memory_space<hbm>> -> memref<64x128xf32, #tpu.memory_space<hbm>>
    %dma_start3A_210 = arith.constant 0 : i32
    %dma_start3A_211 = tpu.memref_slice %arg4[%add3A_202, %dma_start3A_210] : memref<16384x128xf32, #tpu.memory_space<hbm>> -> memref<64x128xf32, #tpu.memory_space<hbm>>
    %dma_start3A_212 = arith.constant 0 : i32
    %dma_start3A_213 = arith.constant 0 : i32
    %dma_start3A_214 = tpu.memref_slice %arg6[%dma_start3A_203, %dma_start3A_212, %dma_start3A_213] : memref<8x64x128xf32, #tpu.memory_space<vmem>> -> memref<1x64x128xf32, #tpu.memory_space<vmem>>
    %dma_start3A_215 = tpu.memref_squeeze %dma_start3A_214 : memref<1x64x128xf32, #tpu.memory_space<vmem>> -> memref<64x128xf32, #tpu.memory_space<vmem>>
    tpu.enqueue_dma source(%dma_start3A_215 : memref<64x128xf32, #tpu.memory_space<vmem>>) target(%dma_start3A_211 : memref<64x128xf32, #tpu.memory_space<hbm>>) target_semaphore(%arg16 : memref<!tpu.dma_semaphore, #tpu.memory_space<semaphore_mem>>)
    %dma_wait3A_216 = arith.constant 5 : i32
    %dma_wait3A_217 = arith.constant 0 : i32
    %dma_wait3A_218 = arith.constant 0 : i32
    %dma_wait3A_219 = tpu.memref_slice %arg6[%dma_wait3A_216, %dma_wait3A_217, %dma_wait3A_218] : memref<8x64x128xf32, #tpu.memory_space<vmem>> -> memref<1x64x128xf32, #tpu.memory_space<vmem>>
    %dma_wait3A_220 = tpu.memref_squeeze %dma_wait3A_219 : memref<1x64x128xf32, #tpu.memory_space<vmem>> -> memref<64x128xf32, #tpu.memory_space<vmem>>
    %dma_wait3A_221 = arith.constant 320 : i32
    %dma_wait3A_222 = tpu.memref_slice %arg5[%dma_wait3A_221] : memref<512xi32, #tpu.memory_space<vmem>> -> memref<64xi32, #tpu.memory_space<vmem>>
    %dma_wait3A_223 = arith.constant 0 : i32
    %dma_wait3A_224 = arith.constant 0 : i32
    %dma_wait3A_225 = tpu.memref_slice %arg7[%dma_wait3A_223, %dma_wait3A_224] : memref<1000x128xf32, #tpu.memory_space<vmem_shared>> -> memref<1000x128xf32, #tpu.memory_space<vmem_shared>>
    tpu.wait_indirect_dma semaphore(%arg13 : memref<!tpu.dma_semaphore, #tpu.memory_space<semaphore_mem>>) src(%dma_wait3A_225 : memref<1000x128xf32, #tpu.memory_space<vmem_shared>>) dst(%dma_wait3A_220 : memref<64x128xf32, #tpu.memory_space<vmem>>)
    %add3A_226 = arith.constant 320 : i32
    %add3A_227 = arith.addi %mul3A_2, %add3A_226 : i32
    %dma_start3A_228 = arith.constant 5 : i32
    %dma_start3A_229 = arith.constant 0 : i32
    %dma_start3A_230 = arith.constant 0 : i32
    %dma_start3A_231 = tpu.memref_slice %arg6[%dma_start3A_228, %dma_start3A_229, %dma_start3A_230] : memref<8x64x128xf32, #tpu.memory_space<vmem>> -> memref<1x64x128xf32, #tpu.memory_space<vmem>>
    %dma_start3A_232 = tpu.memref_squeeze %dma_start3A_231 : memref<1x64x128xf32, #tpu.memory_space<vmem>> -> memref<64x128xf32, #tpu.memory_space<vmem>>
    %dma_start3A_233 = arith.constant 0 : i32
    %dma_start3A_234 = tpu.memref_slice %arg4[%add3A_227, %dma_start3A_233] : memref<16384x128xf32, #tpu.memory_space<hbm>> -> memref<64x128xf32, #tpu.memory_space<hbm>>
    %dma_start3A_235 = arith.constant 0 : i32
    %dma_start3A_236 = tpu.memref_slice %arg4[%add3A_227, %dma_start3A_235] : memref<16384x128xf32, #tpu.memory_space<hbm>> -> memref<64x128xf32, #tpu.memory_space<hbm>>
    %dma_start3A_237 = arith.constant 0 : i32
    %dma_start3A_238 = arith.constant 0 : i32
    %dma_start3A_239 = tpu.memref_slice %arg6[%dma_start3A_228, %dma_start3A_237, %dma_start3A_238] : memref<8x64x128xf32, #tpu.memory_space<vmem>> -> memref<1x64x128xf32, #tpu.memory_space<vmem>>
    %dma_start3A_240 = tpu.memref_squeeze %dma_start3A_239 : memref<1x64x128xf32, #tpu.memory_space<vmem>> -> memref<64x128xf32, #tpu.memory_space<vmem>>
    tpu.enqueue_dma source(%dma_start3A_240 : memref<64x128xf32, #tpu.memory_space<vmem>>) target(%dma_start3A_236 : memref<64x128xf32, #tpu.memory_space<hbm>>) target_semaphore(%arg16 : memref<!tpu.dma_semaphore, #tpu.memory_space<semaphore_mem>>)
    %dma_wait3A_241 = arith.constant 6 : i32
    %dma_wait3A_242 = arith.constant 0 : i32
    %dma_wait3A_243 = arith.constant 0 : i32
    %dma_wait3A_244 = tpu.memref_slice %arg6[%dma_wait3A_241, %dma_wait3A_242, %dma_wait3A_243] : memref<8x64x128xf32, #tpu.memory_space<vmem>> -> memref<1x64x128xf32, #tpu.memory_space<vmem>>
    %dma_wait3A_245 = tpu.memref_squeeze %dma_wait3A_244 : memref<1x64x128xf32, #tpu.memory_space<vmem>> -> memref<64x128xf32, #tpu.memory_space<vmem>>
    %dma_wait3A_246 = arith.constant 384 : i32
    %dma_wait3A_247 = tpu.memref_slice %arg5[%dma_wait3A_246] : memref<512xi32, #tpu.memory_space<vmem>> -> memref<64xi32, #tpu.memory_space<vmem>>
    %dma_wait3A_248 = arith.constant 0 : i32
    %dma_wait3A_249 = arith.constant 0 : i32
    %dma_wait3A_250 = tpu.memref_slice %arg7[%dma_wait3A_248, %dma_wait3A_249] : memref<1000x128xf32, #tpu.memory_space<vmem_shared>> -> memref<1000x128xf32, #tpu.memory_space<vmem_shared>>
    tpu.wait_indirect_dma semaphore(%arg14 : memref<!tpu.dma_semaphore, #tpu.memory_space<semaphore_mem>>) src(%dma_wait3A_250 : memref<1000x128xf32, #tpu.memory_space<vmem_shared>>) dst(%dma_wait3A_245 : memref<64x128xf32, #tpu.memory_space<vmem>>)
    %add3A_251 = arith.constant 384 : i32
    %add3A_252 = arith.addi %mul3A_2, %add3A_251 : i32
    %dma_start3A_253 = arith.constant 6 : i32
    %dma_start3A_254 = arith.constant 0 : i32
    %dma_start3A_255 = arith.constant 0 : i32
    %dma_start3A_256 = tpu.memref_slice %arg6[%dma_start3A_253, %dma_start3A_254, %dma_start3A_255] : memref<8x64x128xf32, #tpu.memory_space<vmem>> -> memref<1x64x128xf32, #tpu.memory_space<vmem>>
    %dma_start3A_257 = tpu.memref_squeeze %dma_start3A_256 : memref<1x64x128xf32, #tpu.memory_space<vmem>> -> memref<64x128xf32, #tpu.memory_space<vmem>>
    %dma_start3A_258 = arith.constant 0 : i32
    %dma_start3A_259 = tpu.memref_slice %arg4[%add3A_252, %dma_start3A_258] : memref<16384x128xf32, #tpu.memory_space<hbm>> -> memref<64x128xf32, #tpu.memory_space<hbm>>
    %dma_start3A_260 = arith.constant 0 : i32
    %dma_start3A_261 = tpu.memref_slice %arg4[%add3A_252, %dma_start3A_260] : memref<16384x128xf32, #tpu.memory_space<hbm>> -> memref<64x128xf32, #tpu.memory_space<hbm>>
    %dma_start3A_262 = arith.constant 0 : i32
    %dma_start3A_263 = arith.constant 0 : i32
    %dma_start3A_264 = tpu.memref_slice %arg6[%dma_start3A_253, %dma_start3A_262, %dma_start3A_263] : memref<8x64x128xf32, #tpu.memory_space<vmem>> -> memref<1x64x128xf32, #tpu.memory_space<vmem>>
    %dma_start3A_265 = tpu.memref_squeeze %dma_start3A_264 : memref<1x64x128xf32, #tpu.memory_space<vmem>> -> memref<64x128xf32, #tpu.memory_space<vmem>>
    tpu.enqueue_dma source(%dma_start3A_265 : memref<64x128xf32, #tpu.memory_space<vmem>>) target(%dma_start3A_261 : memref<64x128xf32, #tpu.memory_space<hbm>>) target_semaphore(%arg16 : memref<!tpu.dma_semaphore, #tpu.memory_space<semaphore_mem>>)
    %dma_wait3A_266 = arith.constant 7 : i32
    %dma_wait3A_267 = arith.constant 0 : i32
    %dma_wait3A_268 = arith.constant 0 : i32
    %dma_wait3A_269 = tpu.memref_slice %arg6[%dma_wait3A_266, %dma_wait3A_267, %dma_wait3A_268] : memref<8x64x128xf32, #tpu.memory_space<vmem>> -> memref<1x64x128xf32, #tpu.memory_space<vmem>>
    %dma_wait3A_270 = tpu.memref_squeeze %dma_wait3A_269 : memref<1x64x128xf32, #tpu.memory_space<vmem>> -> memref<64x128xf32, #tpu.memory_space<vmem>>
    %dma_wait3A_271 = arith.constant 448 : i32
    %dma_wait3A_272 = tpu.memref_slice %arg5[%dma_wait3A_271] : memref<512xi32, #tpu.memory_space<vmem>> -> memref<64xi32, #tpu.memory_space<vmem>>
    %dma_wait3A_273 = arith.constant 0 : i32
    %dma_wait3A_274 = arith.constant 0 : i32
    %dma_wait3A_275 = tpu.memref_slice %arg7[%dma_wait3A_273, %dma_wait3A_274] : memref<1000x128xf32, #tpu.memory_space<vmem_shared>> -> memref<1000x128xf32, #tpu.memory_space<vmem_shared>>
    tpu.wait_indirect_dma semaphore(%arg15 : memref<!tpu.dma_semaphore, #tpu.memory_space<semaphore_mem>>) src(%dma_wait3A_275 : memref<1000x128xf32, #tpu.memory_space<vmem_shared>>) dst(%dma_wait3A_270 : memref<64x128xf32, #tpu.memory_space<vmem>>)
    %add3A_276 = arith.constant 448 : i32
    %add3A_277 = arith.addi %mul3A_2, %add3A_276 : i32
    %dma_start3A_278 = arith.constant 7 : i32
    %dma_start3A_279 = arith.constant 0 : i32
    %dma_start3A_280 = arith.constant 0 : i32
    %dma_start3A_281 = tpu.memref_slice %arg6[%dma_start3A_278, %dma_start3A_279, %dma_start3A_280] : memref<8x64x128xf32, #tpu.memory_space<vmem>> -> memref<1x64x128xf32, #tpu.memory_space<vmem>>
    %dma_start3A_282 = tpu.memref_squeeze %dma_start3A_281 : memref<1x64x128xf32, #tpu.memory_space<vmem>> -> memref<64x128xf32, #tpu.memory_space<vmem>>
    %dma_start3A_283 = arith.constant 0 : i32
    %dma_start3A_284 = tpu.memref_slice %arg4[%add3A_277, %dma_start3A_283] : memref<16384x128xf32, #tpu.memory_space<hbm>> -> memref<64x128xf32, #tpu.memory_space<hbm>>
    %dma_start3A_285 = arith.constant 0 : i32
    %dma_start3A_286 = tpu.memref_slice %arg4[%add3A_277, %dma_start3A_285] : memref<16384x128xf32, #tpu.memory_space<hbm>> -> memref<64x128xf32, #tpu.memory_space<hbm>>
    %dma_start3A_287 = arith.constant 0 : i32
    %dma_start3A_288 = arith.constant 0 : i32
    %dma_start3A_289 = tpu.memref_slice %arg6[%dma_start3A_278, %dma_start3A_287, %dma_start3A_288] : memref<8x64x128xf32, #tpu.memory_space<vmem>> -> memref<1x64x128xf32, #tpu.memory_space<vmem>>
    %dma_start3A_290 = tpu.memref_squeeze %dma_start3A_289 : memref<1x64x128xf32, #tpu.memory_space<vmem>> -> memref<64x128xf32, #tpu.memory_space<vmem>>
    tpu.enqueue_dma source(%dma_start3A_290 : memref<64x128xf32, #tpu.memory_space<vmem>>) target(%dma_start3A_286 : memref<64x128xf32, #tpu.memory_space<hbm>>) target_semaphore(%arg16 : memref<!tpu.dma_semaphore, #tpu.memory_space<semaphore_mem>>)
    %dma_wait3A_291 = arith.constant 0 : i32
    %dma_wait3A_292 = arith.constant 0 : i32
    %dma_wait3A_293 = arith.constant 0 : i32
    %dma_wait3A_294 = tpu.memref_slice %arg6[%dma_wait3A_291, %dma_wait3A_292, %dma_wait3A_293] : memref<8x64x128xf32, #tpu.memory_space<vmem>> -> memref<1x64x128xf32, #tpu.memory_space<vmem>>
    %dma_wait3A_295 = tpu.memref_squeeze %dma_wait3A_294 : memref<1x64x128xf32, #tpu.memory_space<vmem>> -> memref<64x128xf32, #tpu.memory_space<vmem>>
    %dma_wait3A_296 = arith.constant 0 : i32
    %dma_wait3A_297 = tpu.memref_slice %arg4[%add3A_102, %dma_wait3A_296] : memref<16384x128xf32, #tpu.memory_space<hbm>> -> memref<64x128xf32, #tpu.memory_space<hbm>>
    %dma_wait3A_298 = arith.constant 0 : i32
    %dma_wait3A_299 = tpu.memref_slice %arg4[%add3A_102, %dma_wait3A_298] : memref<16384x128xf32, #tpu.memory_space<hbm>> -> memref<64x128xf32, #tpu.memory_space<hbm>>
    %dma_wait3A_300 = arith.constant 0 : i32
    %dma_wait3A_301 = arith.constant 0 : i32
    %dma_wait3A_302 = tpu.memref_slice %arg6[%dma_wait3A_291, %dma_wait3A_300, %dma_wait3A_301] : memref<8x64x128xf32, #tpu.memory_space<vmem>> -> memref<1x64x128xf32, #tpu.memory_space<vmem>>
    %dma_wait3A_303 = tpu.memref_squeeze %dma_wait3A_302 : memref<1x64x128xf32, #tpu.memory_space<vmem>> -> memref<64x128xf32, #tpu.memory_space<vmem>>
    tpu.wait_dma2 semaphore(%arg16 : memref<!tpu.dma_semaphore, #tpu.memory_space<semaphore_mem>>) src(%dma_wait3A_303 : memref<64x128xf32, #tpu.memory_space<vmem>>) dst(%dma_wait3A_299 : memref<64x128xf32, #tpu.memory_space<hbm>>)
    %dma_wait3A_304 = arith.constant 1 : i32
    %dma_wait3A_305 = arith.constant 0 : i32
    %dma_wait3A_306 = arith.constant 0 : i32
    %dma_wait3A_307 = tpu.memref_slice %arg6[%dma_wait3A_304, %dma_wait3A_305, %dma_wait3A_306] : memref<8x64x128xf32, #tpu.memory_space<vmem>> -> memref<1x64x128xf32, #tpu.memory_space<vmem>>
    %dma_wait3A_308 = tpu.memref_squeeze %dma_wait3A_307 : memref<1x64x128xf32, #tpu.memory_space<vmem>> -> memref<64x128xf32, #tpu.memory_space<vmem>>
    %dma_wait3A_309 = arith.constant 0 : i32
    %dma_wait3A_310 = tpu.memref_slice %arg4[%add3A_127, %dma_wait3A_309] : memref<16384x128xf32, #tpu.memory_space<hbm>> -> memref<64x128xf32, #tpu.memory_space<hbm>>
    %dma_wait3A_311 = arith.constant 0 : i32
    %dma_wait3A_312 = tpu.memref_slice %arg4[%add3A_127, %dma_wait3A_311] : memref<16384x128xf32, #tpu.memory_space<hbm>> -> memref<64x128xf32, #tpu.memory_space<hbm>>
    %dma_wait3A_313 = arith.constant 0 : i32
    %dma_wait3A_314 = arith.constant 0 : i32
    %dma_wait3A_315 = tpu.memref_slice %arg6[%dma_wait3A_304, %dma_wait3A_313, %dma_wait3A_314] : memref<8x64x128xf32, #tpu.memory_space<vmem>> -> memref<1x64x128xf32, #tpu.memory_space<vmem>>
    %dma_wait3A_316 = tpu.memref_squeeze %dma_wait3A_315 : memref<1x64x128xf32, #tpu.memory_space<vmem>> -> memref<64x128xf32, #tpu.memory_space<vmem>>
    tpu.wait_dma2 semaphore(%arg16 : memref<!tpu.dma_semaphore, #tpu.memory_space<semaphore_mem>>) src(%dma_wait3A_316 : memref<64x128xf32, #tpu.memory_space<vmem>>) dst(%dma_wait3A_312 : memref<64x128xf32, #tpu.memory_space<hbm>>)
    %dma_wait3A_317 = arith.constant 2 : i32
    %dma_wait3A_318 = arith.constant 0 : i32
    %dma_wait3A_319 = arith.constant 0 : i32
    %dma_wait3A_320 = tpu.memref_slice %arg6[%dma_wait3A_317, %dma_wait3A_318, %dma_wait3A_319] : memref<8x64x128xf32, #tpu.memory_space<vmem>> -> memref<1x64x128xf32, #tpu.memory_space<vmem>>
    %dma_wait3A_321 = tpu.memref_squeeze %dma_wait3A_320 : memref<1x64x128xf32, #tpu.memory_space<vmem>> -> memref<64x128xf32, #tpu.memory_space<vmem>>
    %dma_wait3A_322 = arith.constant 0 : i32
    %dma_wait3A_323 = tpu.memref_slice %arg4[%add3A_152, %dma_wait3A_322] : memref<16384x128xf32, #tpu.memory_space<hbm>> -> memref<64x128xf32, #tpu.memory_space<hbm>>
    %dma_wait3A_324 = arith.constant 0 : i32
    %dma_wait3A_325 = tpu.memref_slice %arg4[%add3A_152, %dma_wait3A_324] : memref<16384x128xf32, #tpu.memory_space<hbm>> -> memref<64x128xf32, #tpu.memory_space<hbm>>
    %dma_wait3A_326 = arith.constant 0 : i32
    %dma_wait3A_327 = arith.constant 0 : i32
    %dma_wait3A_328 = tpu.memref_slice %arg6[%dma_wait3A_317, %dma_wait3A_326, %dma_wait3A_327] : memref<8x64x128xf32, #tpu.memory_space<vmem>> -> memref<1x64x128xf32, #tpu.memory_space<vmem>>
    %dma_wait3A_329 = tpu.memref_squeeze %dma_wait3A_328 : memref<1x64x128xf32, #tpu.memory_space<vmem>> -> memref<64x128xf32, #tpu.memory_space<vmem>>
    tpu.wait_dma2 semaphore(%arg16 : memref<!tpu.dma_semaphore, #tpu.memory_space<semaphore_mem>>) src(%dma_wait3A_329 : memref<64x128xf32, #tpu.memory_space<vmem>>) dst(%dma_wait3A_325 : memref<64x128xf32, #tpu.memory_space<hbm>>)
    %dma_wait3A_330 = arith.constant 3 : i32
    %dma_wait3A_331 = arith.constant 0 : i32
    %dma_wait3A_332 = arith.constant 0 : i32
    %dma_wait3A_333 = tpu.memref_slice %arg6[%dma_wait3A_330, %dma_wait3A_331, %dma_wait3A_332] : memref<8x64x128xf32, #tpu.memory_space<vmem>> -> memref<1x64x128xf32, #tpu.memory_space<vmem>>
    %dma_wait3A_334 = tpu.memref_squeeze %dma_wait3A_333 : memref<1x64x128xf32, #tpu.memory_space<vmem>> -> memref<64x128xf32, #tpu.memory_space<vmem>>
    %dma_wait3A_335 = arith.constant 0 : i32
    %dma_wait3A_336 = tpu.memref_slice %arg4[%add3A_177, %dma_wait3A_335] : memref<16384x128xf32, #tpu.memory_space<hbm>> -> memref<64x128xf32, #tpu.memory_space<hbm>>
    %dma_wait3A_337 = arith.constant 0 : i32
    %dma_wait3A_338 = tpu.memref_slice %arg4[%add3A_177, %dma_wait3A_337] : memref<16384x128xf32, #tpu.memory_space<hbm>> -> memref<64x128xf32, #tpu.memory_space<hbm>>
    %dma_wait3A_339 = arith.constant 0 : i32
    %dma_wait3A_340 = arith.constant 0 : i32
    %dma_wait3A_341 = tpu.memref_slice %arg6[%dma_wait3A_330, %dma_wait3A_339, %dma_wait3A_340] : memref<8x64x128xf32, #tpu.memory_space<vmem>> -> memref<1x64x128xf32, #tpu.memory_space<vmem>>
    %dma_wait3A_342 = tpu.memref_squeeze %dma_wait3A_341 : memref<1x64x128xf32, #tpu.memory_space<vmem>> -> memref<64x128xf32, #tpu.memory_space<vmem>>
    tpu.wait_dma2 semaphore(%arg16 : memref<!tpu.dma_semaphore, #tpu.memory_space<semaphore_mem>>) src(%dma_wait3A_342 : memref<64x128xf32, #tpu.memory_space<vmem>>) dst(%dma_wait3A_338 : memref<64x128xf32, #tpu.memory_space<hbm>>)
    %dma_wait3A_343 = arith.constant 4 : i32
    %dma_wait3A_344 = arith.constant 0 : i32
    %dma_wait3A_345 = arith.constant 0 : i32
    %dma_wait3A_346 = tpu.memref_slice %arg6[%dma_wait3A_343, %dma_wait3A_344, %dma_wait3A_345] : memref<8x64x128xf32, #tpu.memory_space<vmem>> -> memref<1x64x128xf32, #tpu.memory_space<vmem>>
    %dma_wait3A_347 = tpu.memref_squeeze %dma_wait3A_346 : memref<1x64x128xf32, #tpu.memory_space<vmem>> -> memref<64x128xf32, #tpu.memory_space<vmem>>
    %dma_wait3A_348 = arith.constant 0 : i32
    %dma_wait3A_349 = tpu.memref_slice %arg4[%add3A_202, %dma_wait3A_348] : memref<16384x128xf32, #tpu.memory_space<hbm>> -> memref<64x128xf32, #tpu.memory_space<hbm>>
    %dma_wait3A_350 = arith.constant 0 : i32
    %dma_wait3A_351 = tpu.memref_slice %arg4[%add3A_202, %dma_wait3A_350] : memref<16384x128xf32, #tpu.memory_space<hbm>> -> memref<64x128xf32, #tpu.memory_space<hbm>>
    %dma_wait3A_352 = arith.constant 0 : i32
    %dma_wait3A_353 = arith.constant 0 : i32
    %dma_wait3A_354 = tpu.memref_slice %arg6[%dma_wait3A_343, %dma_wait3A_352, %dma_wait3A_353] : memref<8x64x128xf32, #tpu.memory_space<vmem>> -> memref<1x64x128xf32, #tpu.memory_space<vmem>>
    %dma_wait3A_355 = tpu.memref_squeeze %dma_wait3A_354 : memref<1x64x128xf32, #tpu.memory_space<vmem>> -> memref<64x128xf32, #tpu.memory_space<vmem>>
    tpu.wait_dma2 semaphore(%arg16 : memref<!tpu.dma_semaphore, #tpu.memory_space<semaphore_mem>>) src(%dma_wait3A_355 : memref<64x128xf32, #tpu.memory_space<vmem>>) dst(%dma_wait3A_351 : memref<64x128xf32, #tpu.memory_space<hbm>>)
    %dma_wait3A_356 = arith.constant 5 : i32
    %dma_wait3A_357 = arith.constant 0 : i32
    %dma_wait3A_358 = arith.constant 0 : i32
    %dma_wait3A_359 = tpu.memref_slice %arg6[%dma_wait3A_356, %dma_wait3A_357, %dma_wait3A_358] : memref<8x64x128xf32, #tpu.memory_space<vmem>> -> memref<1x64x128xf32, #tpu.memory_space<vmem>>
    %dma_wait3A_360 = tpu.memref_squeeze %dma_wait3A_359 : memref<1x64x128xf32, #tpu.memory_space<vmem>> -> memref<64x128xf32, #tpu.memory_space<vmem>>
    %dma_wait3A_361 = arith.constant 0 : i32
    %dma_wait3A_362 = tpu.memref_slice %arg4[%add3A_227, %dma_wait3A_361] : memref<16384x128xf32, #tpu.memory_space<hbm>> -> memref<64x128xf32, #tpu.memory_space<hbm>>
    %dma_wait3A_363 = arith.constant 0 : i32
    %dma_wait3A_364 = tpu.memref_slice %arg4[%add3A_227, %dma_wait3A_363] : memref<16384x128xf32, #tpu.memory_space<hbm>> -> memref<64x128xf32, #tpu.memory_space<hbm>>
    %dma_wait3A_365 = arith.constant 0 : i32
    %dma_wait3A_366 = arith.constant 0 : i32
    %dma_wait3A_367 = tpu.memref_slice %arg6[%dma_wait3A_356, %dma_wait3A_365, %dma_wait3A_366] : memref<8x64x128xf32, #tpu.memory_space<vmem>> -> memref<1x64x128xf32, #tpu.memory_space<vmem>>
    %dma_wait3A_368 = tpu.memref_squeeze %dma_wait3A_367 : memref<1x64x128xf32, #tpu.memory_space<vmem>> -> memref<64x128xf32, #tpu.memory_space<vmem>>
    tpu.wait_dma2 semaphore(%arg16 : memref<!tpu.dma_semaphore, #tpu.memory_space<semaphore_mem>>) src(%dma_wait3A_368 : memref<64x128xf32, #tpu.memory_space<vmem>>) dst(%dma_wait3A_364 : memref<64x128xf32, #tpu.memory_space<hbm>>)
    %dma_wait3A_369 = arith.constant 6 : i32
    %dma_wait3A_370 = arith.constant 0 : i32
    %dma_wait3A_371 = arith.constant 0 : i32
    %dma_wait3A_372 = tpu.memref_slice %arg6[%dma_wait3A_369, %dma_wait3A_370, %dma_wait3A_371] : memref<8x64x128xf32, #tpu.memory_space<vmem>> -> memref<1x64x128xf32, #tpu.memory_space<vmem>>
    %dma_wait3A_373 = tpu.memref_squeeze %dma_wait3A_372 : memref<1x64x128xf32, #tpu.memory_space<vmem>> -> memref<64x128xf32, #tpu.memory_space<vmem>>
    %dma_wait3A_374 = arith.constant 0 : i32
    %dma_wait3A_375 = tpu.memref_slice %arg4[%add3A_252, %dma_wait3A_374] : memref<16384x128xf32, #tpu.memory_space<hbm>> -> memref<64x128xf32, #tpu.memory_space<hbm>>
    %dma_wait3A_376 = arith.constant 0 : i32
    %dma_wait3A_377 = tpu.memref_slice %arg4[%add3A_252, %dma_wait3A_376] : memref<16384x128xf32, #tpu.memory_space<hbm>> -> memref<64x128xf32, #tpu.memory_space<hbm>>
    %dma_wait3A_378 = arith.constant 0 : i32
    %dma_wait3A_379 = arith.constant 0 : i32
    %dma_wait3A_380 = tpu.memref_slice %arg6[%dma_wait3A_369, %dma_wait3A_378, %dma_wait3A_379] : memref<8x64x128xf32, #tpu.memory_space<vmem>> -> memref<1x64x128xf32, #tpu.memory_space<vmem>>
    %dma_wait3A_381 = tpu.memref_squeeze %dma_wait3A_380 : memref<1x64x128xf32, #tpu.memory_space<vmem>> -> memref<64x128xf32, #tpu.memory_space<vmem>>
    tpu.wait_dma2 semaphore(%arg16 : memref<!tpu.dma_semaphore, #tpu.memory_space<semaphore_mem>>) src(%dma_wait3A_381 : memref<64x128xf32, #tpu.memory_space<vmem>>) dst(%dma_wait3A_377 : memref<64x128xf32, #tpu.memory_space<hbm>>)
    %dma_wait3A_382 = arith.constant 7 : i32
    %dma_wait3A_383 = arith.constant 0 : i32
    %dma_wait3A_384 = arith.constant 0 : i32
    %dma_wait3A_385 = tpu.memref_slice %arg6[%dma_wait3A_382, %dma_wait3A_383, %dma_wait3A_384] : memref<8x64x128xf32, #tpu.memory_space<vmem>> -> memref<1x64x128xf32, #tpu.memory_space<vmem>>
    %dma_wait3A_386 = tpu.memref_squeeze %dma_wait3A_385 : memref<1x64x128xf32, #tpu.memory_space<vmem>> -> memref<64x128xf32, #tpu.memory_space<vmem>>
    %dma_wait3A_387 = arith.constant 0 : i32
    %dma_wait3A_388 = tpu.memref_slice %arg4[%add3A_277, %dma_wait3A_387] : memref<16384x128xf32, #tpu.memory_space<hbm>> -> memref<64x128xf32, #tpu.memory_space<hbm>>
    %dma_wait3A_389 = arith.constant 0 : i32
    %dma_wait3A_390 = tpu.memref_slice %arg4[%add3A_277, %dma_wait3A_389] : memref<16384x128xf32, #tpu.memory_space<hbm>> -> memref<64x128xf32, #tpu.memory_space<hbm>>
    %dma_wait3A_391 = arith.constant 0 : i32
    %dma_wait3A_392 = arith.constant 0 : i32
    %dma_wait3A_393 = tpu.memref_slice %arg6[%dma_wait3A_382, %dma_wait3A_391, %dma_wait3A_392] : memref<8x64x128xf32, #tpu.memory_space<vmem>> -> memref<1x64x128xf32, #tpu.memory_space<vmem>>
    %dma_wait3A_394 = tpu.memref_squeeze %dma_wait3A_393 : memref<1x64x128xf32, #tpu.memory_space<vmem>> -> memref<64x128xf32, #tpu.memory_space<vmem>>
    tpu.wait_dma2 semaphore(%arg16 : memref<!tpu.dma_semaphore, #tpu.memory_space<semaphore_mem>>) src(%dma_wait3A_394 : memref<64x128xf32, #tpu.memory_space<vmem>>) dst(%dma_wait3A_390 : memref<64x128xf32, #tpu.memory_space<hbm>>)
    return
  }
}

</mosaic_0001>

<sc_bundles>
// kernel: kernel.3.cloned.1.call-start
scs
__scs_entry_jumppad:
0x0: {  	(pc) =	sbr.rel $0x88, $3  }
0x1: {  	(tag) =	ssettag $0x0;
	lr =	simm.s32 $0x1  }
0x2: {  	[smem:$0x3F9F] =	sst lr;
	_ =	strace $0xD0000000  }
0x3: {  	_ = 	snop  }
0x4: {  	_ = 	snop  }
0x5: {  	_ = 	snop  }
0x6: {  	_ = 	snop  }
0x7: {  	_ = 	snop  }
__scs_overlays_trampoline_lowered:
0x8: {  	[smem:$0x3FAE] =	sst s0  }
0x9: {  	[smem:$0x3FAF] =	sst s1  }
0xa: {  	[smem:$0x3FB0] =	sst s2  }
0xb: {  	[smem:$0x3FB1] =	sst s3  }
0xc: {  	[smem:$0x3FB2] =	sst s4  }
0xd: {  	[smem:$0x3FB3] =	sst s5  }
0xe: {  	[smem:$0x3FB4] =	sst s6  }
0xf: {  	[smem:$0x3FB5] =	sst s7  }
0x10: {  	[smem:$0x3FB6] =	sst s8  }
0x11: {  	[smem:$0x3FB7] =	sst s9;
	s0 =	simm.s32 @!p0 $0x0  }
0x12: {  	s1 =	sld [smem:$0x3F9D];
	s0 =	simm.s32 @p0 $0x1  }
0x13: {  	[smem:$0x3FB8] =	sst s0;
	s0 =	simm.s32 @!p1 $0x0  }
0x14: {  	s2 =	sld [smem:$0x3F9C];
	s0 =	simm.s32 @p1 $0x1  }
0x15: {  	[smem:$0x3FB9] =	sst s0;
	s0 =	simm.s32 @!p2 $0x0  }
0x16: {  	s3 =	sld [smem:$0x3FDB];
	s0 =	simm.s32 @p2 $0x1  }
0x17: {  	s4 =	simm.s32 $0x1BF5;
	[smem:$0x3FBB] =	sst s0  }
0x18: {  	s0 =	sld [smem:$0x3F9E];
	_ =	swait.ge [sflag:s4], $0x0  }
0x19: {  	s7 =	sld [smem:$0x3F9F]  }
0x1a: {  	s8 =	sadd.s32 $0xFFFFE003, lr  }
0x1b: {  	s9 =	sadd.s32 $0xFFFFFEF7, lr;
	s5 =	simm.s32 $0xFFFFFFFF;
	p2 =	slt.u32 s8, $0xFFFFF086  }
0x1c: {  	p1 =	slt.u32 s9, $0xF7A;
	s5 =	simm.s32 @!p2 $0x0  }
0x1d: {  	s5 =	simm.s32 @p1 $0x1;
	p0 =	seq.s32 s7, s2  }
0x1e: {  	s7 =	smul.u32 @!p0 $0xF7A, s2;
	p2 =	seq.s32 @!p0 s5, $0x0  }
0x1f: {  	s9 =	smul.u32 $0xF7A, s1;
	s8 =	simm.s32 @!p0 $0x1BF5;
	p2 =	por !p2, p0  }
0x20: {  	[sflag:s8] =	ssyncset.s32 @!p0 $0xFFFFF086;
	s6 =	sadd.s32 @!p0 s3, s7;
	s7 =	simm.s32 @!p0 $0x108  }
0x21: {  	s3 =	sadd.s32 s3, s9;
	s6 =	sadd.s32 @!p0 $0x88, s6;
	s7 =	simm.s32 @p2 $0x1082  }
0x22: {  	[simem:s7], [sflag:s8] =	dma.local @!p0 [hbm:s6], $0xF7A  }
0x23: {  	s9 =	sor.u32 $0xD0000000, s2;
	s6 =	simm.s32 $0x108;
	_ =	swait.ge @!p0 [sflag:s8], $0x0  }
0x24: {  	s3 =	sadd.s32 $0x88, s3;
	s6 =	simm.s32 @!p1 $0x1082;
	[sflag:s4] =	ssyncset.s32 $0xFFFFF086  }
0x25: {  	[simem:s6], [sflag:s4] =	dma.local [hbm:s3], $0xF7A  }
0x26: {  	[smem:$0x3F9F] =	sst s1;
	(tag) =	ssettag s2;
	_ =	strace s9  }
0x27: {  	s1 =	sld [smem:$0x3FAF]  }
0x28: {  	s2 =	sld [smem:$0x3FB0]  }
0x29: {  	s4 =	sld [smem:$0x3FB2]  }
0x2a: {  	p0 =	seq.s32 s5, $0x0;
	s5 =	sld [smem:$0x3FB3]  }
0x2b: {  	s6 =	sld [smem:$0x3FB4]  }
0x2c: {  	s7 =	sld [smem:$0x3FB5]  }
0x2d: {  	s3 =	simm.s32 $0x108;
	s8 =	sld [smem:$0x3FB6]  }
0x2e: {  	s3 =	simm.s32 @!p0 $0x1082;
	s9 =	sld [smem:$0x3FB7]  }
0x2f: {  	lr =	sadd.s32 s0, s3;
	s0 =	sld [smem:$0x3FAE]  }
0x30: {  	s3 =	sld [smem:$0x3FB1]  }
0x31: {  	[smem:$0x3FBA] =	sst s10  }
0x32: {  	s10 =	sld [smem:$0x3FB8];
	_ =	sdelay $0x3  }
0x33: {  	p0 =	seq.s32 s10, $0x1;
	s10 =	sld [smem:$0x3FBA];
	_ =	sdelay $0x3  }
0x34: {  	[smem:$0x3FBA] =	sst s10  }
0x35: {  	s10 =	sld [smem:$0x3FB9];
	_ =	sdelay $0x3  }
0x36: {  	p1 =	seq.s32 s10, $0x1;
	s10 =	sld [smem:$0x3FBA];
	_ =	sdelay $0x3  }
0x37: {  	[smem:$0x3FBA] =	sst s10  }
0x38: {  	s10 =	sld [smem:$0x3FBB]  }
0x39: {  	_ = 	snop;
	(pc) =	sbr.ind lr, $3  }
0x3a: {  	_ = 	snop  }
0x3b: {  	_ = 	snop  }
0x3c: {  	p2 =	seq.s32 s10, $0x1;
	s10 =	sld [smem:$0x3FBA]  }
0x3d: {  	_ =	shalt  }
0x3e: {  	_ =	shalt  }
0x3f: {  	_ =	shalt  }
0x40: {  	_ =	shalt  }
0x41: {  	_ =	shalt  }
0x42: {  	_ =	shalt  }
0x43: {  	_ =	shalt  }
0x44: {  	_ =	shalt  }
0x45: {  	_ =	shalt  }
0x46: {  	_ =	shalt  }
0x47: {  	_ =	shalt  }
0x48: {  	_ =	shalt  }
0x49: {  	_ =	shalt  }
0x4a: {  	_ =	shalt  }
0x4b: {  	_ =	shalt  }
0x4c: {  	_ =	shalt  }
0x4d: {  	_ =	shalt  }
0x4e: {  	_ =	shalt  }
0x4f: {  	_ =	shalt  }
0x50: {  	_ =	shalt  }
0x51: {  	_ =	shalt  }
0x52: {  	_ =	shalt  }
0x53: {  	_ =	shalt  }
0x54: {  	_ =	shalt  }
0x55: {  	_ =	shalt  }
0x56: {  	_ =	shalt  }
0x57: {  	_ =	shalt  }
0x58: {  	_ =	shalt  }
0x59: {  	_ =	shalt  }
0x5a: {  	_ =	shalt  }
0x5b: {  	_ =	shalt  }
0x5c: {  	_ =	shalt  }
0x5d: {  	_ =	shalt  }
0x5e: {  	_ =	shalt  }
0x5f: {  	_ =	shalt  }
0x60: {  	_ =	shalt  }
0x61: {  	_ =	shalt  }
0x62: {  	_ =	shalt  }
0x63: {  	_ =	shalt  }
0x64: {  	_ =	shalt  }
0x65: {  	_ =	shalt  }
0x66: {  	_ =	shalt  }
0x67: {  	_ =	shalt  }
0x68: {  	_ =	shalt  }
0x69: {  	_ =	shalt  }
0x6a: {  	_ =	shalt  }
0x6b: {  	_ =	shalt  }
0x6c: {  	_ =	shalt  }
0x6d: {  	_ =	shalt  }
0x6e: {  	_ =	shalt  }
0x6f: {  	_ =	shalt  }
0x70: {  	_ =	shalt  }
0x71: {  	_ =	shalt  }
0x72: {  	_ =	shalt  }
0x73: {  	_ =	shalt  }
0x74: {  	_ =	shalt  }
0x75: {  	_ =	shalt  }
0x76: {  	_ =	shalt  }
0x77: {  	_ =	shalt  }
0x78: {  	_ =	shalt  }
0x79: {  	_ =	shalt  }
0x7a: {  	_ =	shalt  }
0x7b: {  	_ =	shalt  }
0x7c: {  	_ =	shalt  }
0x7d: {  	_ =	shalt  }
0x7e: {  	_ =	shalt  }
0x7f: {  	_ =	shalt  }
0x80: {  	_ =	shalt  }
0x81: {  	_ =	shalt  }
0x82: {  	_ =	shalt  }
0x83: {  	_ =	shalt  }
0x84: {  	_ =	shalt  }
0x85: {  	_ =	shalt  }
0x86: {  	_ =	shalt  }
0x87: {  	_ =	shalt  }
.Lfunc_end0:
.L_simem_size_0:
called_computation_lowered:
.L_overlay_start_0:
0x88: {  	s2 =	sld [smem:$0x3FD9]  }
0x89: {  	s3 =	sld [smem:$0x3FFE];
	_ =	sdelay $0x1  }
0x8a: {  	s1 =	srdreg.scid  }
0x8b: {  	s0 =	sand.u32 $0x1, s1  }
0x8c: {  	s18 =	sshll.u32 s0, $0xA;
	s2 =	sadd.s32 s3, s2  }
0x8d: {  	s2 =	sadd.s32 s2, s18  }
0x8e: {  	[smem:$0x3FC6] =	sst s2  }
0x8f: {  	_ = 	snop  }
0x90: {  	s2 =	sld [smem:$0x3FC9]  }
0x91: {  	s19 =	sld [smem:$0x3FC8]  }
0x92: {  	s4 =	sld [smem:$0x3FD0];
	(tm) =	ssettm $0x1  }
0x93: {  	s5 =	sld [smem:$0x3FFB];
	_ =	sdelay $0x3  }
0x94: {  	_ =	strace s5  }
0x95: {  	s5 =	sld [smem:$0x3FFC];
	_ =	sdelay $0x3  }
0x96: {  	_ =	strace s5  }
0x97: {  	s5 =	sld [smem:$0x3FFD];
	_ =	sdelay $0x3  }
0x98: {  	_ =	strace s5  }
0x99: {  	_ =	strace $0x8FFFFFFF  }
0x9a: {  	s20 =	sld [smem:$0x3FDB];
	_ =	sdelay $0x1  }
0x9b: {  	s6 =	simm.s32 $_scs_section_size  }
0x9c: {  	s7 =	simm.s32 $_size__tile_overlayer_lowered;
	s8 =	simm.s32 $_tile_overlayer_lowered  }
0x9d: {  	s23 =	simm.s32 $0x1BFF;
	s22 =	sshll.u32 s8, $0x1;
	s5 =	sadd.s32 s6, s20  }
0x9e: {  	s9 =	simm.s32 $0x0;
	s21 =	sshll.u32 s7, $0x1;
	s7 =	sadd.s32 s22, s5  }
0x9f: {  	[timem:s9], [sflag:s23] =	dma.local [hbm:s7], s21  }
0xa0: {  	_ =	swait.ge [sflag:s23], s21  }
0xa1: {  	s6 =	ssub.s32 $0x0, s21;
	[sflag:s23] =	ssyncset.done $0x0  }
0xa2: {  	[sflag:s23] =	ssyncadd.s32 s6;
	_ =	sdelay $0x1  }
0xa3: {  	s24 =	simm.s32 $0x1B8B  }
0xa4: {  	_ =	swait.ge [sflag:s24], $0x1  }
0xa5: {  	[sflag:s24] =	ssyncset.done $0x0  }
0xa6: {  	s25 =	simm.s32 $0x1B8E;
	[sflag:s24] =	ssyncadd.s32 $0xFFFFFFFF  }
0xa7: {  	s26 =	simm.s32 $execute0_lowered;
	[smem:$0x3FD2] =	sst s25  }
0xa8: {  	s6 =	sshll.u32 s26, $0x1;
	_ =	strace $0x80000046;
	[dreg:$0x1] =	wrdreg $0xFFFFFFFF  }
0xa9: {  	s28 =	simm.s32 $_size_execute0_lowered;
	s5 =	sadd.s32 s5, s6;
	[dreg:$0x0] =	wrdreg $0x0  }
0xaa: {  	s6 =	sshll.u32 s28, $0x1;
	[dreg:$0x2] =	wrdreg s5  }
0xab: {  	[dreg:$0x3] =	wrdreg s6  }
0xac: {  	[dreg:$0x4] =	wrdreg $0xC0  }
0xad: {  	_ =	task [dreg:s9], $0x5FFFF  }
0xae: {  	[dreg:$0x1] =	wrdreg $0xFFFFFFFF  }
0xaf: {  	[dreg:$0x0] =	wrdreg $0x60  }
0xb0: {  	[dreg:$0x2] =	wrdreg s2  }
0xb1: {  	[dreg:$0x3] =	wrdreg s19  }
0xb2: {  	[dreg:$0x4] =	wrdreg s4  }
0xb3: {  	[dreg:$0x5] =	wrdreg $0x102000  }
0xb4: {  	[dreg:$0x6] =	wrdreg $0x9  }
0xb5: {  	_ =	task.clear_ibuf [dreg:s9], $0x7FFFF;
	_ =	strace $0x90000046  }
0xb6: {  	s29 =	simm.s32 $0x9;
	_ =	strace $0x80000048  }
0xb7: {  	_ =	swait.ge [sflag:s29], $0x1  }
0xb8: {  	[sflag:s29] =	ssyncadd.s32 $0xFFFFFFFF  }
0xb9: {  	_ =	strace $0x90000048  }
0xba: {  	_ =	sfence  }
0xbb: {  	s30 =	sld [smem:$0x0];
	_ =	sdelay $0x2  }
0xbc: {  	s31 =	sshll.u32 s1, $0xD;
	s1 =	sshrl.u32 s1, $0x2  }
0xbd: {  	s3 =	sand.u32 $0x4000, s31;
	s1 =	sadd.s32 s1, s30  }
0xbe: {  	s0 =	sor.u32 s3, s0;
	s1 =	sshll.u32 s1, $0x11  }
0xbf: {  	s0 =	sor.u32 s1, s0  }
0xc0: {  	s0 =	sadd.s32 $0x8F2B, s0  }
0xc1: {  	[sflag:s0] =	ssyncadd.remote.s32 $0x1  }
0xc2: {  	_ =	sfence.sel $0xFFFF  }
0xc3: {  	[dreg:$0x0] =	wrdreg $0xFFFFFFFF;
	(pc) =	sbr.abs _section_cstart, $3  }
0xc4: {  	[dreg:$0x1] =	wrdreg $0xFFFFFFFF  }
0xc5: {  	_ =	task.clear_ibuf [dreg:s9], $0x2FFFF;
	_ =	strace $0x9FFFFFFF  }
0xc6: {  	(tm) =	ssettm $0x7FFFFFFF  }
0xc7: {  	_ =	shalt  }
tec
execute0_lowered:
.L_overlay_start_1:
0x0: {  	(tag) =	ssettag $0x1  }
0x1: {  	s4 =	rddreg [dreg:$0x0]  }
0x2: {  	s5 =	rddreg [dreg:$0x1];
	s1 =	srdreg.scid  }
0x3: {  	s6 =	rddreg [dreg:$0x2];
	s0 =	stileid.u32  }
0x4: {  	s2 =	rddreg [dreg:$0x3];
	s3 =	simm.s32 $0x0;
	s25 =	simm.s32 $0x80  }
0x5: {  	s1 =	sand.u32 $0x1, s1;
	s7 =	sshll.u32 s0, $0xA;
	[smem:$0x7FF] =	sst s3  }
0x6: {  	p0 =	seq.s32 s0, $0xF;
	s8 =	sshll.u32 s1, $0x9;
	_ =	strace $0x80000047  }
0x7: {  	s15 =	sadd.s32 s5, s7;
	s5 =	sadd.s32 $0x3C00, s5;
	[dreg:$0x12] =	wrdreg s25  }
0x8: {  	s8 =	sor.u32 s8, s7;
	[dreg:$0x6] =	wrdreg s15;
	s7 =	sadd.s32 $0x1E000, s2  }
0x9: {  	s21 =	sshll.u32 s0, $0xD;
	[dreg:$0x7] =	wrdreg s5;
	s5 =	sshrl.u32 @p0 s7, $0x3  }
0xa: {  	s9 =	sshrl.u32 s8, $0x3;
	s7 =	sshll.u32 @!p0 s0, $0x6;
	[dreg:$0x11] =	wrdreg s5  }
0xb: {  	s0 =	simm.s32 $0xC0;
	s5 =	sor.u32 @!p0 $0x1C0B, s7;
	s7 =	rddreg [dreg:$0x7]  }
0xc: {  	s4 =	sadd.s32 s4, s9;
	[dreg:$0x13] =	wrdreg s0  }
0xd: {  	[dreg:$0x5] =	wrdreg s4  }
0xe: {  	s16 =	sshll.u32 s8, $0x4;
	[dreg:$0xf] =	wrdreg s5  }
0xf: {  	s4 =	sadd.s32 s6, s16;
	s9 =	rddreg [dreg:$0x11]  }
0x10: {  	s17 =	sadd.s32 $0x400, s4;
	s26 =	rddreg [dreg:$0x5]  }
0x11: {  	s18 =	sadd.s32 $0x800, s4;
	[dreg:$0x8] =	wrdreg s17  }
0x12: {  	s19 =	sadd.s32 $0xC00, s4;
	[dreg:$0x9] =	wrdreg s18  }
0x13: {  	s20 =	sadd.s32 $0x1000, s4;
	[dreg:$0xa] =	wrdreg s19  }
0x14: {  	s22 =	sadd.s32 $0x1400, s4;
	[dreg:$0xb] =	wrdreg s20  }
0x15: {  	s23 =	sadd.s32 $0x1800, s4;
	[dreg:$0xc] =	wrdreg s22  }
0x16: {  	s6 =	sadd.s32 s21, s2;
	s24 =	sadd.s32 $0x1C00, s4;
	[dreg:$0xd] =	wrdreg s23  }
0x17: {  	s5 =	sshrl.u32 @!p0 s6, $0x3;
	[dreg:$0xe] =	wrdreg s24  }
0x18: {  	s0 =	simm.s32 @p0 $0x1FCB;
	s6 =	simm.s32 @p0 $0xB;
	[dreg:$0x10] =	wrdreg s5  }
0x19: {  	[tilespmem:s3], [sflag:$0xA] =	stream.linear.gather [hbm4b:s26+s3], $0x200, $0x38;
	[tilespmem:$0x12140] =	vst v63  }
0x1a: {  	[spmem:s9], [sflag:s0] =	dma.local @p0 [hbm:s7], $0x280  }
0x1b: {  	_ =	swait.ge @p0 [sflag:s6], $0x280  }
0x1c: {  	s8 =	rddreg [dreg:$0x10]  }
0x1d: {  	s9 =	rddreg [dreg:$0x6];
	[sflag:s6] =	ssyncset.done @p0 $0x0  }
0x1e: {  	s7 =	simm.s32 @!p0 $0xB;
	s10 =	rddreg [dreg:$0xf];
	[sflag:s6] =	ssyncadd.s32 @p0 $0xFFFFFD80  }
0x1f: {  	[spmem:s8], [sflag:s10] =	dma.local @!p0 [hbm:s9], $0x400  }
0x20: {  	_ =	swait.ge @!p0 [sflag:s7], $0x400  }
0x21: {  	[sflag:s7] =	ssyncset.done @!p0 $0x0  }
0x22: {  	s8 =	simm.s32 $0xA;
	[sflag:s7] =	ssyncadd.s32 @!p0 $0xFFFFFC00  }
0x23: {  	_ =	swait.ge [sflag:s8], $0x200  }
0x24: {  	[sflag:s8] =	ssyncset.done $0x0  }
0x25: {  	[sflag:s8] =	ssyncadd.s32 $0xFFFFFE00  }
0x26: {  	s9 =	simm.s32 $0x40;
	s10 =	simm.s32 $0x200;
	[bflag:$0x0] =	sbarrier.arrive $0xFFFF  }
0x27: {  	[tilespmem:s10], [sflag:$0x1] =	stream.indirect.gather [spmem:s2], $0x80, s3, s9, $0xb8;
	[tilespmem:$0x12140] =	vst v63  }
0x28: {  	s11 =	simm.s32 $0x2200  }
0x29: {  	[tilespmem:s11], [sflag:$0x2] =	stream.indirect.gather [spmem:s2], $0x80, s9, s9, $0xb8;
	[tilespmem:$0x12140] =	vst v63  }
0x2a: {  	s12 =	simm.s32 $0x4200;
	s13 =	rddreg [dreg:$0x12]  }
0x2b: {  	[tilespmem:s12], [sflag:$0x3] =	stream.indirect.gather [spmem:s2], $0x80, s13, s9, $0xb8;
	[tilespmem:$0x12140] =	vst v63  }
0x2c: {  	s14 =	rddreg [dreg:$0x13];
	s13 =	simm.s32 $0x6200  }
0x2d: {  	[tilespmem:s13], [sflag:$0x4] =	stream.indirect.gather [spmem:s2], $0x80, s14, s9, $0xb8;
	[tilespmem:$0x12140] =	vst v63  }
0x2e: {  	s15 =	simm.s32 $0x8200;
	s5 =	simm.s32 $0x100  }
0x2f: {  	[tilespmem:s15], [sflag:$0x5] =	stream.indirect.gather [spmem:s2], $0x80, s5, s9, $0xb8;
	[tilespmem:$0x12140] =	vst v63  }
0x30: {  	s16 =	simm.s32 $0x140;
	s17 =	simm.s32 $0xA200  }
0x31: {  	[tilespmem:s17], [sflag:$0x6] =	stream.indirect.gather [spmem:s2], $0x80, s16, s9, $0xb8;
	[tilespmem:$0x12140] =	vst v63  }
0x32: {  	s18 =	simm.s32 $0x180;
	s19 =	simm.s32 $0xC200  }
0x33: {  	[tilespmem:s19], [sflag:$0x7] =	stream.indirect.gather [spmem:s2], $0x80, s18, s9, $0xb8;
	[tilespmem:$0x12140] =	vst v63  }
0x34: {  	s21 =	simm.s32 $0xE200;
	s20 =	simm.s32 $0x1C0;
	s22 =	simm.s32 $0x1  }
0x35: {  	[tilespmem:s21], [sflag:$0x8] =	stream.indirect.gather [spmem:s2], $0x80, s20, s9, $0xb8;
	[tilespmem:$0x12140] =	vst v63  }
0x36: {  	_ =	swait.ge [sflag:s22], $0x2000  }
0x37: {  	[sflag:s22] =	ssyncset.done $0x0  }
0x38: {  	s23 =	simm.s32 $0x2;
	[sflag:s22] =	ssyncadd.s32 $0xFFFFE000  }
0x39: {  	[hbm4b:s4+s3] =	stream.linear.scatter [tilespmem:s10], [sflag:$0x9], $0x2000, $0x38;
	[tilespmem:$0x12140] =	vst v63  }
0x3a: {  	_ =	swait.ge [sflag:s23], $0x2000  }
0x3b: {  	[sflag:s23] =	ssyncset.done $0x0  }
0x3c: {  	s24 =	rddreg [dreg:$0x8];
	[sflag:s23] =	ssyncadd.s32 $0xFFFFE000  }
0x3d: {  	[hbm4b:s24+s3] =	stream.linear.scatter [tilespmem:s11], [sflag:$0x9], $0x2000, $0x38;
	[tilespmem:$0x12140] =	vst v63  }
0x3e: {  	s24 =	simm.s32 $0x3  }
0x3f: {  	_ =	swait.ge [sflag:s24], $0x2000  }
0x40: {  	[sflag:s24] =	ssyncset.done $0x0  }
0x41: {  	s25 =	rddreg [dreg:$0x9];
	[sflag:s24] =	ssyncadd.s32 $0xFFFFE000  }
0x42: {  	[hbm4b:s25+s3] =	stream.linear.scatter [tilespmem:s12], [sflag:$0x9], $0x2000, $0x38;
	[tilespmem:$0x12140] =	vst v63  }
0x43: {  	s25 =	simm.s32 $0x4  }
0x44: {  	_ =	swait.ge [sflag:s25], $0x2000  }
0x45: {  	[sflag:s25] =	ssyncset.done $0x0  }
0x46: {  	s26 =	rddreg [dreg:$0xa];
	[sflag:s25] =	ssyncadd.s32 $0xFFFFE000  }
0x47: {  	[hbm4b:s26+s3] =	stream.linear.scatter [tilespmem:s13], [sflag:$0x9], $0x2000, $0x38;
	[tilespmem:$0x12140] =	vst v63  }
0x48: {  	s26 =	simm.s32 $0x5  }
0x49: {  	_ =	swait.ge [sflag:s26], $0x2000  }
0x4a: {  	[sflag:s26] =	ssyncset.done $0x0  }
0x4b: {  	s28 =	rddreg [dreg:$0xb];
	[sflag:s26] =	ssyncadd.s32 $0xFFFFE000  }
0x4c: {  	[hbm4b:s28+s3] =	stream.linear.scatter [tilespmem:s15], [sflag:$0x9], $0x2000, $0x38;
	[tilespmem:$0x12140] =	vst v63  }
0x4d: {  	s28 =	simm.s32 $0x6  }
0x4e: {  	_ =	swait.ge [sflag:s28], $0x2000  }
0x4f: {  	[sflag:s28] =	ssyncset.done $0x0  }
0x50: {  	s29 =	rddreg [dreg:$0xc];
	[sflag:s28] =	ssyncadd.s32 $0xFFFFE000  }
0x51: {  	[hbm4b:s29+s3] =	stream.linear.scatter [tilespmem:s17], [sflag:$0x9], $0x2000, $0x38;
	[tilespmem:$0x12140] =	vst v63  }
0x52: {  	s29 =	simm.s32 $0x7  }
0x53: {  	_ =	swait.ge [sflag:s29], $0x2000  }
0x54: {  	[sflag:s29] =	ssyncset.done $0x0  }
0x55: {  	s30 =	rddreg [dreg:$0xd];
	[sflag:s29] =	ssyncadd.s32 $0xFFFFE000  }
0x56: {  	[hbm4b:s30+s3] =	stream.linear.scatter [tilespmem:s19], [sflag:$0x9], $0x2000, $0x38;
	[tilespmem:$0x12140] =	vst v63  }
0x57: {  	s30 =	simm.s32 $0x8  }
0x58: {  	_ =	swait.ge [sflag:s30], $0x2000  }
0x59: {  	[sflag:s30] =	ssyncset.done $0x0  }
0x5a: {  	s31 =	rddreg [dreg:$0xe];
	[sflag:s30] =	ssyncadd.s32 $0xFFFFE000  }
0x5b: {  	[hbm4b:s31+s3] =	stream.linear.scatter [tilespmem:s21], [sflag:$0x9], $0x2000, $0x38;
	[tilespmem:$0x12140] =	vst v63  }
0x5c: {  	s31 =	simm.s32 $0x9  }
0x5d: {  	_ =	swait.ge [sflag:s31], $0x2000  }
0x5e: {  	[sflag:s31] =	ssyncset.done $0x0  }
0x5f: {  	[sflag:s31] =	ssyncadd.s32 $0xFFFFE000  }
0x60: {  	_ =	swait.ge [sflag:s31], $0x2000  }
0x61: {  	[sflag:s31] =	ssyncset.done $0x0  }
0x62: {  	[sflag:s31] =	ssyncadd.s32 $0xFFFFE000  }
0x63: {  	_ =	swait.ge [sflag:s31], $0x2000  }
0x64: {  	[sflag:s31] =	ssyncset.done $0x0  }
0x65: {  	[sflag:s31] =	ssyncadd.s32 $0xFFFFE000  }
0x66: {  	s1 =	ssub.s32 $0x2, s1;
	_ =	swait.ge [sflag:s31], $0x2000  }
0x67: {  	s14 =	sshrl.u32 s1, $0x1;
	[sflag:s31] =	ssyncset.done $0x0  }
0x68: {  	s0 =	ssub.s32 s1, s14;
	[sflag:s31] =	ssyncadd.s32 $0xFFFFE000  }
0x69: {  	s0 =	smax.u32 s0, $0x1;
	_ =	swait.ge [sflag:s31], $0x2000  }
0x6a: {  	s1 =	sadd.s32 $0xFFFFFFFF, s0;
	[sflag:s31] =	ssyncset.done $0x0  }
0x6b: {  	p1 =	sne.s32 s1, $0x0;
	[sflag:s31] =	ssyncadd.s32 $0xFFFFE000  }
.Ltmp0:
0x6c: {  	_ =	swait.ge [sflag:s31], $0x2000;
	(pc) =	sbr.rel @!p1 .LBB2_2-.Ltmp0, $4  }
0x6d: {  	[sflag:s31] =	ssyncset.done $0x0  }
0x6e: {  	[sflag:s31] =	ssyncadd.s32 $0xFFFFE000  }
0x6f: {  	_ =	swait.ge [sflag:s31], $0x2000  }
0x70: {  	[sflag:s31] =	ssyncset.done $0x0  }
.LBB2_1:
0x71: {  	[sflag:s31] =	ssyncadd.s32 $0xFFFFE000  }
0x72: {  	_ =	swait.ge [sflag:s31], $0x2000  }
0x73: {  	s0 =	rddreg [dreg:$0x7];
	[sflag:s31] =	ssyncset.done $0x0  }
0x74: {  	s5 =	rddreg [dreg:$0x5];
	[sflag:s31] =	ssyncadd.s32 $0xFFFFE000  }
0x75: {  	[tilespmem:s3], [sflag:$0xA] =	stream.linear.gather [hbm4b:s5+s3], $0x200, $0x38;
	[tilespmem:$0x12140] =	vst v63  }
0x76: {  	s14 =	rddreg [dreg:$0x11];
	s5 =	simm.s32 @p0 $0x1FCB  }
0x77: {  	[spmem:s14], [sflag:s5] =	dma.local @p0 [hbm:s0], $0x280  }
0x78: {  	_ =	swait.ge @p0 [sflag:s6], $0x280  }
0x79: {  	s0 =	rddreg [dreg:$0x10]  }
0x7a: {  	[sflag:s6] =	ssyncset.done @p0 $0x0;
	s5 =	rddreg [dreg:$0x6]  }
0x7b: {  	s14 =	rddreg [dreg:$0xf];
	[sflag:s6] =	ssyncadd.s32 @p0 $0xFFFFFD80  }
0x7c: {  	[spmem:s0], [sflag:s14] =	dma.local @!p0 [hbm:s5], $0x400  }
0x7d: {  	_ =	swait.ge @!p0 [sflag:s7], $0x400  }
0x7e: {  	[sflag:s7] =	ssyncset.done @!p0 $0x0  }
0x7f: {  	[sflag:s7] =	ssyncadd.s32 @!p0 $0xFFFFFC00  }
0x80: {  	_ =	swait.ge [sflag:s8], $0x200  }
0x81: {  	[sflag:s8] =	ssyncset.done $0x0  }
0x82: {  	[sflag:s8] =	ssyncadd.s32 $0xFFFFFE00  }
0x83: {  	[bflag:$0x0] =	sbarrier.arrive $0xFFFF  }
0x84: {  	[tilespmem:s10], [sflag:$0x1] =	stream.indirect.gather [spmem:s2], $0x80, s3, s9, $0xb8;
	[tilespmem:$0x12140] =	vst v63  }
0x85: {  	_ = 	snop  }
0x86: {  	[tilespmem:s11], [sflag:$0x2] =	stream.indirect.gather [spmem:s2], $0x80, s9, s9, $0xb8;
	[tilespmem:$0x12140] =	vst v63  }
0x87: {  	s5 =	rddreg [dreg:$0x12]  }
0x88: {  	[tilespmem:s12], [sflag:$0x3] =	stream.indirect.gather [spmem:s2], $0x80, s5, s9, $0xb8;
	[tilespmem:$0x12140] =	vst v63  }
0x89: {  	s14 =	rddreg [dreg:$0x13]  }
0x8a: {  	[tilespmem:s13], [sflag:$0x4] =	stream.indirect.gather [spmem:s2], $0x80, s14, s9, $0xb8;
	[tilespmem:$0x12140] =	vst v63  }
0x8b: {  	s5 =	simm.s32 $0x100  }
0x8c: {  	[tilespmem:s15], [sflag:$0x5] =	stream.indirect.gather [spmem:s2], $0x80, s5, s9, $0xb8;
	[tilespmem:$0x12140] =	vst v63  }
0x8d: {  	_ = 	snop  }
0x8e: {  	[tilespmem:s17], [sflag:$0x6] =	stream.indirect.gather [spmem:s2], $0x80, s16, s9, $0xb8;
	[tilespmem:$0x12140] =	vst v63  }
0x8f: {  	_ = 	snop  }
0x90: {  	[tilespmem:s19], [sflag:$0x7] =	stream.indirect.gather [spmem:s2], $0x80, s18, s9, $0xb8;
	[tilespmem:$0x12140] =	vst v63  }
0x91: {  	_ = 	snop  }
0x92: {  	[tilespmem:s21], [sflag:$0x8] =	stream.indirect.gather [spmem:s2], $0x80, s20, s9, $0xb8;
	[tilespmem:$0x12140] =	vst v63  }
0x93: {  	_ =	swait.ge [sflag:s22], $0x2000  }
0x94: {  	[sflag:s22] =	ssyncset.done $0x0  }
0x95: {  	[sflag:s22] =	ssyncadd.s32 $0xFFFFE000  }
0x96: {  	[hbm4b:s4+s3] =	stream.linear.scatter [tilespmem:s10], [sflag:$0x9], $0x2000, $0x38;
	[tilespmem:$0x12140] =	vst v63  }
0x97: {  	_ =	swait.ge [sflag:s23], $0x2000  }
0x98: {  	[sflag:s23] =	ssyncset.done $0x0  }
0x99: {  	s14 =	rddreg [dreg:$0x8];
	[sflag:s23] =	ssyncadd.s32 $0xFFFFE000  }
0x9a: {  	[hbm4b:s14+s3] =	stream.linear.scatter [tilespmem:s11], [sflag:$0x9], $0x2000, $0x38;
	[tilespmem:$0x12140] =	vst v63  }
0x9b: {  	_ =	swait.ge [sflag:s24], $0x2000  }
0x9c: {  	[sflag:s24] =	ssyncset.done $0x0  }
0x9d: {  	s5 =	rddreg [dreg:$0x9];
	[sflag:s24] =	ssyncadd.s32 $0xFFFFE000  }
0x9e: {  	[hbm4b:s5+s3] =	stream.linear.scatter [tilespmem:s12], [sflag:$0x9], $0x2000, $0x38;
	[tilespmem:$0x12140] =	vst v63  }
0x9f: {  	_ =	swait.ge [sflag:s25], $0x2000  }
0xa0: {  	[sflag:s25] =	ssyncset.done $0x0  }
0xa1: {  	s14 =	rddreg [dreg:$0xa];
	[sflag:s25] =	ssyncadd.s32 $0xFFFFE000  }
0xa2: {  	[hbm4b:s14+s3] =	stream.linear.scatter [tilespmem:s13], [sflag:$0x9], $0x2000, $0x38;
	[tilespmem:$0x12140] =	vst v63  }
0xa3: {  	_ =	swait.ge [sflag:s26], $0x2000  }
0xa4: {  	[sflag:s26] =	ssyncset.done $0x0  }
0xa5: {  	s5 =	rddreg [dreg:$0xb];
	[sflag:s26] =	ssyncadd.s32 $0xFFFFE000  }
0xa6: {  	[hbm4b:s5+s3] =	stream.linear.scatter [tilespmem:s15], [sflag:$0x9], $0x2000, $0x38;
	[tilespmem:$0x12140] =	vst v63  }
0xa7: {  	_ =	swait.ge [sflag:s28], $0x2000  }
0xa8: {  	[sflag:s28] =	ssyncset.done $0x0  }
0xa9: {  	s14 =	rddreg [dreg:$0xc];
	[sflag:s28] =	ssyncadd.s32 $0xFFFFE000  }
0xaa: {  	[hbm4b:s14+s3] =	stream.linear.scatter [tilespmem:s17], [sflag:$0x9], $0x2000, $0x38;
	[tilespmem:$0x12140] =	vst v63  }
0xab: {  	_ =	swait.ge [sflag:s29], $0x2000  }
0xac: {  	[sflag:s29] =	ssyncset.done $0x0  }
0xad: {  	s5 =	rddreg [dreg:$0xd];
	[sflag:s29] =	ssyncadd.s32 $0xFFFFE000  }
0xae: {  	[hbm4b:s5+s3] =	stream.linear.scatter [tilespmem:s19], [sflag:$0x9], $0x2000, $0x38;
	[tilespmem:$0x12140] =	vst v63  }
0xaf: {  	_ =	swait.ge [sflag:s30], $0x2000  }
0xb0: {  	[sflag:s30] =	ssyncset.done $0x0  }
0xb1: {  	s14 =	rddreg [dreg:$0xe];
	[sflag:s30] =	ssyncadd.s32 $0xFFFFE000  }
0xb2: {  	[hbm4b:s14+s3] =	stream.linear.scatter [tilespmem:s21], [sflag:$0x9], $0x2000, $0x38;
	[tilespmem:$0x12140] =	vst v63  }
0xb3: {  	_ =	swait.ge [sflag:s31], $0x2000  }
0xb4: {  	[sflag:s31] =	ssyncset.done $0x0  }
0xb5: {  	[sflag:s31] =	ssyncadd.s32 $0xFFFFE000  }
0xb6: {  	_ =	swait.ge [sflag:s31], $0x2000  }
0xb7: {  	[sflag:s31] =	ssyncset.done $0x0  }
0xb8: {  	[sflag:s31] =	ssyncadd.s32 $0xFFFFE000  }
0xb9: {  	_ =	swait.ge [sflag:s31], $0x2000  }
0xba: {  	[sflag:s31] =	ssyncset.done $0x0  }
0xbb: {  	[sflag:s31] =	ssyncadd.s32 $0xFFFFE000  }
0xbc: {  	_ =	swait.ge [sflag:s31], $0x2000  }
0xbd: {  	[sflag:s31] =	ssyncset.done $0x0  }
0xbe: {  	[sflag:s31] =	ssyncadd.s32 $0xFFFFE000  }
0xbf: {  	_ =	swait.ge [sflag:s31], $0x2000  }
0xc0: {  	s1 =	sadd.s32 $0xFFFFFFFF, s1;
	[sflag:s31] =	ssyncset.done $0x0  }
0xc1: {  	p1 =	sne.s32 s1, $0x0;
	[sflag:s31] =	ssyncadd.s32 $0xFFFFE000  }
.Ltmp1:
0xc2: {  	_ =	swait.ge [sflag:s31], $0x2000;
	(pc) =	sbr.rel @p1 .LBB2_1-.Ltmp1, $4  }
0xc3: {  	[sflag:s31] =	ssyncset.done $0x0  }
0xc4: {  	[sflag:s31] =	ssyncadd.s32 $0xFFFFE000  }
0xc5: {  	_ =	swait.ge [sflag:s31], $0x2000  }
0xc6: {  	[sflag:s31] =	ssyncset.done $0x0  }
.LBB2_2:
0xc7: {  	[sflag:s31] =	ssyncadd.s32 $0xFFFFE000  }
0xc8: {  	_ =	swait.ge [sflag:s31], $0x2000  }
0xc9: {  	[sflag:s31] =	ssyncset.done $0x0  }
0xca: {  	[sflag:s31] =	ssyncadd.s32 $0xFFFFE000  }
0xcb: {  	_ =	sfence.sel $0x180000  }
0xcc: {  	[bflag:$0x0] =	sbarrier.arrive $0xFFFF  }
0xcd: {  	_ =	strace $0x90000047  }
0xce: {  	s0 =	stileid.u32;
	[bflag:$0x2] =	sbarrier.arrive $0xFFFF  }
0xcf: {  	p0 =	sne.s32 s0, $0x0;
	s0 =	rddreg [dreg:$0x4]  }
0xd0: {  	s0 =	sadd.s32 @!p0 $0x100000, s0  }
0xd1: {  	[sflag:s0] =	ssyncadd.tile.s32 @!p0 $0x1;
	_ =	shalt  }
.Lfunc_end2:
_tile_overlayer_lowered:
.L_overlay_start_2:
0xd2: {  	(tag) =	ssettag $0x2  }
0xd3: {  	s0 =	rddreg [dreg:$0x0];
	s2 =	stileid.u32  }
0xd4: {  	s1 =	rddreg [dreg:$0x1];
	p0 =	sne.s32 s2, $0x0  }
0xd5: {  	s3 =	rddreg [dreg:$0x2];
	[bflag:$0x3] =	sbarrier.arrive $0xFFFF;
	s2 =	simm.s32 @!p0 $0x1C0B  }
0xd6: {  	[timem:s3], [sflag:s2] =	dma.local @!p0 [hbm:s0], s1  }
0xd7: {  	s0 =	simm.s32 @!p0 $0xB  }
0xd8: {  	_ =	swait.ge @!p0 [sflag:s0], s1  }
0xd9: {  	s1 =	ssub.s32 @!p0 $0x0, s1;
	[sflag:s0] =	ssyncset.done @!p0 $0x0  }
0xda: {  	[sflag:s0] =	ssyncadd.s32 @!p0 s1  }
0xdb: {  	[bflag:$0x3] =	sbarrier.arrive $0xFFFF  }
0xdc: {  	_ =	shalt  }

</sc_bundles>
